<compile_context>
chip_gen: v7x
topology: tpu7x:2x2x1
jax: 0.10.2.dev20260603
libtpu: 0.0.44.dev20260713+nightly
codegen_flags: <defaults>
</compile_context>

<pallas_src>
import jax
import jax.numpy as jnp
from jax import lax
from jax.experimental import pallas as pl
from jax.experimental.pallas import tpu as pltpu
from jax.experimental.pallas import tpu_sc as plsc

_L = 16
_CA = 16
_D = 512
_R = 3 * _D
_QA = 32
_NSC = 8


def _sc_body(x_hbm, der_hbm, out_hbm, x_v, der_v0, der_v1, out_v, red_v,
             sem0, sem1):
    wid = lax.axis_index("c") * 16 + lax.axis_index("s")
    q = wid // 4
    r = wid % 4
    lane = lax.broadcasted_iota(jnp.int32, (_L,), 0)

    pltpu.sync_copy(x_hbm.at[pl.ds(q * _D, _D)], x_v)

    bufs = (der_v0, der_v1)
    sems = (sem0, sem1)
    zero = jnp.zeros((_L,), jnp.float32)

    for u in range(2):
        pltpu.async_copy(
            der_hbm.at[q, pl.ds(r * _QA + u * _CA, _CA)], bufs[u], sems[u])

    c_init = (lane * 0, lane * 0 + 1, lane * 0 + 2)
    sq_acc = zero
    for u in range(2):
        buf, sem = bufs[u], sems[u]
        pltpu.make_async_copy(der_hbm.at[q, pl.ds(0, _CA)], buf, sem).wait()

        def dloop(i, carry, buf=buf):
            a0, a1, a2, b0, b1, b2, c0, c1, c2 = carry
            xv = x_v[pl.ds(i * _L, _L)]
            for m in range(_L):
                g0 = plsc.load_gather(buf, [lane, c0])
                g1 = plsc.load_gather(buf, [lane, c1])
                g2 = plsc.load_gather(buf, [lane, c2])
                c0, c1, c2 = c0 + 3, c1 + 3, c2 + 3
                xs = xv[m]
                if m % 2 == 0:
                    a0 = a0 + g0 * xs
                    a1 = a1 + g1 * xs
                    a2 = a2 + g2 * xs
                else:
                    b0 = b0 + g0 * xs
                    b1 = b1 + g1 * xs
                    b2 = b2 + g2 * xs
            return (a0, a1, a2, b0, b1, b2, c0, c1, c2)

        a0, a1, a2, b0, b1, b2, _, _, _ = lax.fori_loop(
            0, _D // _L, dloop, (zero,) * 6 + c_init)
        a0, a1, a2 = a0 + b0, a1 + b1, a2 + b2
        sq_acc = sq_acc + a0 * a0 + a1 * a1 + a2 * a2

    for s in (8, 4, 2, 1):
        red_v[...] = sq_acc
        sq_acc = sq_acc + plsc.load_gather(red_v, [(lane + s) % _L])

    out_v[...] = sq_acc
    pltpu.sync_copy(out_v, out_hbm.at[wid])


def _tc_body(w3_ref, der_ref, out_ref):
    s = []
    for bb in range(4):
        y = lax.dot_general(der_ref[bb], w3_ref[bb], (((1,), (1,)), ((), ())),
                            preferred_element_type=jnp.float32)
        s.append(jnp.sum(y * y, keepdims=True))
    out_ref[...] = jnp.stack(s)


def kernel(x, der_desc_wrt_coord):
    B, A, D, K = der_desc_wrt_coord.shape
    der3 = der_desc_wrt_coord.reshape(B, A, D * K)
    x_flat = x.reshape(B * D)

    sc = pl.kernel(
        _sc_body,
        out_type=jax.ShapeDtypeStruct((32, _L), jnp.float32),
        mesh=plsc.VectorSubcoreMesh(core_axis_name="c", subcore_axis_name="s"),
        compiler_params=pltpu.CompilerParams(needs_layout_passes=False),
        scratch_types=[
            pltpu.VMEM((_D,), jnp.float32),
            pltpu.VMEM((_CA, _R), jnp.float32),
            pltpu.VMEM((_CA, _R), jnp.float32),
            pltpu.VMEM((_L,), jnp.float32),
            pltpu.VMEM((_L,), jnp.float32),
            pltpu.SemaphoreType.DMA,
            pltpu.SemaphoreType.DMA,
        ],
    )
    out_sc = sc(x_flat, der3)

    j = jnp.arange(D * K, dtype=jnp.int32)
    sel = (j[None, :] % K) == jnp.arange(K, dtype=jnp.int32)[:, None]
    w3 = jnp.where(sel[None], x[:, None, j // K], 0.0)
    out_tc = pl.pallas_call(
        _tc_body,
        grid=((B - _NSC) // 4,),
        in_specs=[
            pl.BlockSpec((4, K, D * K), lambda b: (b + _NSC // 4, 0, 0)),
            pl.BlockSpec((4, A, D * K), lambda b: (b + _NSC // 4, 0, 0)),
        ],
        out_specs=pl.BlockSpec((4, 1, 1), lambda b: (b, 0, 0)),
        out_shape=jax.ShapeDtypeStruct((B - _NSC, 1, 1), jnp.float32),
    )(w3, der3)

    head = out_sc[:, 0].reshape(_NSC, 4).sum(axis=1)
    return jnp.concatenate([head, out_tc[:, 0, 0]])

# --- scband reference (transcript-rebuilt; emitter-appended) ---
"""Pipeline reference for scband-smart-square-modulus-nabla-q-43542378447120 (READ-ONLY COPY).

The authoritative reference and input builder live on the scoring server;
editing this copy changes nothing except your own understanding.
"""

import jax, jax.numpy as jnp
import numpy as np

B, A, D = 64, 128, 512


def setup_inputs(seed: int = 0) -> dict:
    key = jax.random.key(seed)
    k1, k2 = jax.random.split(key)
    der = jax.random.normal(k1, (B, A, D, 3), dtype=jnp.float32)
    x = jax.random.normal(k2, (B, D), dtype=jnp.float32)
    return {"x": x, "der_desc_wrt_coord": der}


def _make_indices(shape):
    # Faithful port of setup(): nonzero() on a dense randn tensor yields all
    # row-major indices, so mat_ind is just the unraveled arange.
    Bs, As, Ds, _ = shape
    N = Bs * As * Ds * 3
    flat = jnp.arange(N)
    batch_ind, atom_ind, des_ind, dim_ind = jnp.unravel_index(flat, shape)
    # get_scatter_indices, faithful translation
    not_shifted = atom_ind * 3 + dim_ind
    batch_elements = jax.ops.segment_sum(jnp.ones_like(batch_ind), batch_ind, num_segments=Bs)
    batch_elements = batch_elements.at[0].add(-1)
    # batch_pointers[i] = sum(batch_elements[:i])  (exclusive prefix sum)
    batch_pointers = jnp.concatenate([
        jnp.zeros((1,), dtype=batch_elements.dtype),
        jnp.cumsum(batch_elements)[:-1],
    ])
    markers = not_shifted[batch_pointers]
    # cumulative_markers[i] = sum(markers[:i+1]) + unique(batch_ind)[i]
    cumulative_markers = jnp.cumsum(markers) + jnp.arange(Bs)
    batch_shift = cumulative_markers[batch_ind]
    shifted = not_shifted + batch_shift
    return batch_ind, des_ind, shifted


def reference(x, der_desc_wrt_coord):
    Bs, As, Ds, _ = der_desc_wrt_coord.shape
    batch_ind, des_ind, shifted = _make_indices(der_desc_wrt_coord.shape)
    # create_nonzero_left: ravel of the dense derivative tensor
    left = der_desc_wrt_coord.ravel()
    # create_right: gather x at (batch_ind, des_ind)
    right = x[batch_ind, des_ind]
    src = left * right
    # compute_square_modulus: scatter-add, square, reshape, reduce
    out = jax.ops.segment_sum(src, shifted, num_segments=Bs * As * 3)
    out = out ** 2
    out = out.reshape((Bs, As, 3)).sum(axis=(-2, -1))
    return out

if __name__ == "__main__":
    import jax
    _d = setup_inputs()
    print(jax.jit(kernel)(*tuple(_d.values())))

</pallas_src>

<mosaic_0001>
#map = affine_map<(d0, d1) -> (0)>
#map1 = affine_map<(d0, d1) -> (0, 0, 0)>
#map2 = affine_map<(d0, d1) -> (0, 0)>
module attributes {stable_mosaic.version = 14 : i64} {
  func.func @_sc_body(%arg0: i32, %arg1: i32, %arg2: memref<32768xf32, #tpu.memory_space<hbm>>, %arg3: memref<64x128x1536xf32, #tpu.memory_space<hbm>>, %arg4: memref<32x16xf32, #tpu.memory_space<hbm>>, %arg5: memref<512xf32, #tpu.memory_space<vmem>>, %arg6: memref<16x1536xf32, #tpu.memory_space<vmem>>, %arg7: memref<16x1536xf32, #tpu.memory_space<vmem>>, %arg8: memref<16xf32, #tpu.memory_space<vmem>>, %arg9: memref<16xf32, #tpu.memory_space<vmem>>, %arg10: memref<!tpu.dma_semaphore, #tpu.memory_space<semaphore_mem>>, %arg11: memref<!tpu.dma_semaphore, #tpu.memory_space<semaphore_mem>>) attributes {dimension_semantics = [#tpu.dimension_semantics<core_parallel>, #tpu.dimension_semantics<subcore_parallel>], iteration_bounds = array<i64: 2, 16>, scalar_prefetch = 0 : i64, scratch_operands = 7 : i64, tpu.core_type = #tpu.core_type<sc_vector_subcore>, window_params = [{transform_indices = #map}, {transform_indices = #map1}, {transform_indices = #map2}]} {
    %mul3A = arith.constant 16 : i32
    %mul3A_0 = arith.muli %arg0, %mul3A : i32
    %add3A = arith.addi %mul3A_0, %arg1 : i32
    %jit3A = arith.constant 4 : i32
    %div3A = arith.divsi %add3A, %jit3A : i32
    %sign3A = arith.constant 0 : i32
    %sign3A_1 = arith.cmpi sgt, %add3A, %sign3A : i32
    %sign3A_2 = arith.extui %sign3A_1 : i1 to i32
    %sign3A_3 = arith.constant 0 : i32
    %sign3A_4 = arith.cmpi slt, %add3A, %sign3A_3 : i32
    %sign3A_5 = arith.extui %sign3A_4 : i1 to i32
    %sign3A_6 = arith.subi %sign3A_2, %sign3A_5 : i32
    %sign3A_7 = arith.constant 0 : i32
    %sign3A_8 = arith.cmpi sgt, %jit3A, %sign3A_7 : i32
    %sign3A_9 = arith.extui %sign3A_8 : i1 to i32
    %sign3A_10 = arith.constant 0 : i32
    %sign3A_11 = arith.cmpi slt, %jit3A, %sign3A_10 : i32
    %sign3A_12 = arith.extui %sign3A_11 : i1 to i32
    %sign3A_13 = arith.subi %sign3A_9, %sign3A_12 : i32
    %ne3A = arith.cmpi ne, %sign3A_6, %sign3A_13 : i32
    %rem3A = arith.remsi %add3A, %jit3A : i32
    %ne3A_14 = arith.constant 0 : i32
    %ne3A_15 = arith.cmpi ne, %rem3A, %ne3A_14 : i32
    %and3A = arith.andi %ne3A, %ne3A_15 : i1
    %sub3A = arith.constant 1 : i32
    %sub3A_16 = arith.subi %div3A, %sub3A : i32
    %select_n3A = arith.select %and3A, %sub3A_16, %div3A : i32
    %jit3A_17 = arith.constant 4 : i32
    %eq3A = arith.constant 0 : i32
    %eq3A_18 = arith.cmpi eq, %jit3A_17, %eq3A : i32
    %jit3A_19 = arith.constant 1 : i32
    %select_n3A_20 = arith.select %eq3A_18, %jit3A_19, %jit3A_17 : i32
    %rem3A_21 = arith.remsi %add3A, %select_n3A_20 : i32
    %ne3A_22 = arith.constant 0 : i32
    %ne3A_23 = arith.cmpi ne, %rem3A_21, %ne3A_22 : i32
    %lt3A = arith.constant 0 : i32
    %lt3A_24 = arith.cmpi slt, %rem3A_21, %lt3A : i32
    %lt3A_25 = arith.constant 0 : i32
    %lt3A_26 = arith.cmpi slt, %select_n3A_20, %lt3A_25 : i32
    %ne3A_27 = arith.xori %lt3A_24, %lt3A_26 : i1
    %and3A_28 = arith.andi %ne3A_27, %ne3A_23 : i1
    %add3A_29 = arith.addi %rem3A_21, %select_n3A_20 : i32
    %select_n3A_30 = arith.select %and3A_28, %add3A_29, %rem3A_21 : i32
    %iota3A = tpu.iota {dimensions = array<i32: 0>} : vector<16xi32>
    %mul3A_31 = arith.constant 512 : i32
    %mul3A_32 = arith.muli %select_n3A, %mul3A_31 : i32
    "tpu.region"() ({
      %run_scoped3A = tpu.sem_alloc : memref<!tpu.dma_semaphore, #tpu.memory_space<semaphore_mem>>
      %dma_start3A_228 = tpu.memref_slice %arg2[%mul3A_32] : memref<32768xf32, #tpu.memory_space<hbm>> -> memref<512xf32, #tpu.memory_space<hbm>>
      %dma_start3A_229 = tpu.memref_slice %arg2[%mul3A_32] : memref<32768xf32, #tpu.memory_space<hbm>> -> memref<512xf32, #tpu.memory_space<hbm>>
      tpu.enqueue_dma source(%dma_start3A_229 : memref<512xf32, #tpu.memory_space<hbm>>) target(%arg5 : memref<512xf32, #tpu.memory_space<vmem>>) target_semaphore(%run_scoped3A : memref<!tpu.dma_semaphore, #tpu.memory_space<semaphore_mem>>)
      %dma_wait3A_230 = tpu.memref_slice %arg2[%mul3A_32] : memref<32768xf32, #tpu.memory_space<hbm>> -> memref<512xf32, #tpu.memory_space<hbm>>
      %dma_wait3A_231 = tpu.memref_slice %arg2[%mul3A_32] : memref<32768xf32, #tpu.memory_space<hbm>> -> memref<512xf32, #tpu.memory_space<hbm>>
      tpu.wait_dma2 semaphore(%run_scoped3A : memref<!tpu.dma_semaphore, #tpu.memory_space<semaphore_mem>>) src(%dma_wait3A_231 : memref<512xf32, #tpu.memory_space<hbm>>) dst(%arg5 : memref<512xf32, #tpu.memory_space<vmem>>)
      tpu.yield
    }) : () -> ()
    %broadcast_in_dim3A = arith.constant 0.000000e+00 : f32
    %broadcast_in_dim3A_33 = vector.broadcast %broadcast_in_dim3A : f32 to vector<16xf32>
    %mul3A_34 = arith.constant 32 : i32
    %mul3A_35 = arith.muli %select_n3A_30, %mul3A_34 : i32
    %add3A_36 = arith.constant 0 : i32
    %add3A_37 = arith.addi %mul3A_35, %add3A_36 : i32
    %dma_start3A = arith.constant 0 : i32
    %dma_start3A_38 = tpu.memref_slice %arg3[%select_n3A, %add3A_37, %dma_start3A] : memref<64x128x1536xf32, #tpu.memory_space<hbm>> -> memref<1x16x1536xf32, #tpu.memory_space<hbm>>
    %dma_start3A_39 = tpu.memref_squeeze %dma_start3A_38 : memref<1x16x1536xf32, #tpu.memory_space<hbm>> -> memref<16x1536xf32, #tpu.memory_space<hbm>>
    %dma_start3A_40 = arith.constant 0 : i32
    %dma_start3A_41 = tpu.memref_slice %arg3[%select_n3A, %add3A_37, %dma_start3A_40] : memref<64x128x1536xf32, #tpu.memory_space<hbm>> -> memref<1x16x1536xf32, #tpu.memory_space<hbm>>
    %dma_start3A_42 = tpu.memref_squeeze %dma_start3A_41 : memref<1x16x1536xf32, #tpu.memory_space<hbm>> -> memref<16x1536xf32, #tpu.memory_space<hbm>>
    tpu.enqueue_dma source(%dma_start3A_42 : memref<16x1536xf32, #tpu.memory_space<hbm>>) target(%arg6 : memref<16x1536xf32, #tpu.memory_space<vmem>>) target_semaphore(%arg10 : memref<!tpu.dma_semaphore, #tpu.memory_space<semaphore_mem>>)
    %mul3A_43 = arith.constant 32 : i32
    %mul3A_44 = arith.muli %select_n3A_30, %mul3A_43 : i32
    %add3A_45 = arith.constant 16 : i32
    %add3A_46 = arith.addi %mul3A_44, %add3A_45 : i32
    %dma_start3A_47 = arith.constant 0 : i32
    %dma_start3A_48 = tpu.memref_slice %arg3[%select_n3A, %add3A_46, %dma_start3A_47] : memref<64x128x1536xf32, #tpu.memory_space<hbm>> -> memref<1x16x1536xf32, #tpu.memory_space<hbm>>
    %dma_start3A_49 = tpu.memref_squeeze %dma_start3A_48 : memref<1x16x1536xf32, #tpu.memory_space<hbm>> -> memref<16x1536xf32, #tpu.memory_space<hbm>>
    %dma_start3A_50 = arith.constant 0 : i32
    %dma_start3A_51 = tpu.memref_slice %arg3[%select_n3A, %add3A_46, %dma_start3A_50] : memref<64x128x1536xf32, #tpu.memory_space<hbm>> -> memref<1x16x1536xf32, #tpu.memory_space<hbm>>
    %dma_start3A_52 = tpu.memref_squeeze %dma_start3A_51 : memref<1x16x1536xf32, #tpu.memory_space<hbm>> -> memref<16x1536xf32, #tpu.memory_space<hbm>>
    tpu.enqueue_dma source(%dma_start3A_52 : memref<16x1536xf32, #tpu.memory_space<hbm>>) target(%arg7 : memref<16x1536xf32, #tpu.memory_space<vmem>>) target_semaphore(%arg11 : memref<!tpu.dma_semaphore, #tpu.memory_space<semaphore_mem>>)
    %mul3A_53 = arith.constant 0 : i32
    %mul3A_54 = vector.broadcast %mul3A_53 : i32 to vector<16xi32>
    %mul3A_55 = arith.muli %iota3A, %mul3A_54 : vector<16xi32>
    %mul3A_56 = arith.constant 0 : i32
    %mul3A_57 = vector.broadcast %mul3A_56 : i32 to vector<16xi32>
    %mul3A_58 = arith.muli %iota3A, %mul3A_57 : vector<16xi32>
    %add3A_59 = arith.constant 1 : i32
    %add3A_60 = vector.broadcast %add3A_59 : i32 to vector<16xi32>
    %add3A_61 = arith.addi %mul3A_58, %add3A_60 : vector<16xi32>
    %mul3A_62 = arith.constant 0 : i32
    %mul3A_63 = vector.broadcast %mul3A_62 : i32 to vector<16xi32>
    %mul3A_64 = arith.muli %iota3A, %mul3A_63 : vector<16xi32>
    %add3A_65 = arith.constant 2 : i32
    %add3A_66 = vector.broadcast %add3A_65 : i32 to vector<16xi32>
    %add3A_67 = arith.addi %mul3A_64, %add3A_66 : vector<16xi32>
    %dma_wait3A = arith.constant 0 : i32
    %dma_wait3A_68 = arith.constant 0 : i32
    %dma_wait3A_69 = tpu.memref_slice %arg3[%select_n3A, %dma_wait3A, %dma_wait3A_68] : memref<64x128x1536xf32, #tpu.memory_space<hbm>> -> memref<1x16x1536xf32, #tpu.memory_space<hbm>>
    %dma_wait3A_70 = tpu.memref_squeeze %dma_wait3A_69 : memref<1x16x1536xf32, #tpu.memory_space<hbm>> -> memref<16x1536xf32, #tpu.memory_space<hbm>>
    %dma_wait3A_71 = arith.constant 0 : i32
    %dma_wait3A_72 = arith.constant 0 : i32
    %dma_wait3A_73 = tpu.memref_slice %arg3[%select_n3A, %dma_wait3A_71, %dma_wait3A_72] : memref<64x128x1536xf32, #tpu.memory_space<hbm>> -> memref<1x16x1536xf32, #tpu.memory_space<hbm>>
    %dma_wait3A_74 = tpu.memref_squeeze %dma_wait3A_73 : memref<1x16x1536xf32, #tpu.memory_space<hbm>> -> memref<16x1536xf32, #tpu.memory_space<hbm>>
    tpu.wait_dma2 semaphore(%arg10 : memref<!tpu.dma_semaphore, #tpu.memory_space<semaphore_mem>>) src(%dma_wait3A_74 : memref<16x1536xf32, #tpu.memory_space<hbm>>) dst(%arg6 : memref<16x1536xf32, #tpu.memory_space<vmem>>)
    %scan3A = arith.constant 0 : i32
    %scan3A_75 = arith.constant 32 : i32
    %scan3A_76 = arith.addi %scan3A, %scan3A_75 : i32
    %scan3A_77 = arith.constant 1 : i32
    %scan3A_78:9 = scf.for %scan3A_228 = %scan3A to %scan3A_76 step %scan3A_77 iter_args(%scan3A_229 = %broadcast_in_dim3A_33, %scan3A_230 = %broadcast_in_dim3A_33, %scan3A_231 = %broadcast_in_dim3A_33, %scan3A_232 = %broadcast_in_dim3A_33, %scan3A_233 = %broadcast_in_dim3A_33, %scan3A_234 = %broadcast_in_dim3A_33, %scan3A_235 = %mul3A_55, %scan3A_236 = %add3A_61, %scan3A_237 = %add3A_67) -> (vector<16xf32>, vector<16xf32>, vector<16xf32>, vector<16xf32>, vector<16xf32>, vector<16xf32>, vector<16xi32>, vector<16xi32>, vector<16xi32>)  : i32 {
      %mul3A_238 = arith.constant 16 : i32
      %mul3A_239 = arith.muli %scan3A_228, %mul3A_238 : i32
      %get3A = arith.index_cast %mul3A_239 : i32 to index
      %get3A_240 = tpu.vector_load %arg5[%get3A] {strides = array<i32>} : memref<512xf32, #tpu.memory_space<vmem>>, vector<16xf32>,
      %gather3A_241 = tpu.vector_load_idx %arg6[%iota3A, %scan3A_235] : memref<16x1536xf32, #tpu.memory_space<vmem>>[vector<16xi32>, vector<16xi32>], vector<16xf32>,
      %gather3A_242 = tpu.vector_load_idx %arg6[%iota3A, %scan3A_236] : memref<16x1536xf32, #tpu.memory_space<vmem>>[vector<16xi32>, vector<16xi32>], vector<16xf32>,
      %gather3A_243 = tpu.vector_load_idx %arg6[%iota3A, %scan3A_237] : memref<16x1536xf32, #tpu.memory_space<vmem>>[vector<16xi32>, vector<16xi32>], vector<16xf32>,
      %add3A_244 = arith.constant 3 : i32
      %add3A_245 = vector.broadcast %add3A_244 : i32 to vector<16xi32>
      %add3A_246 = arith.addi %scan3A_235, %add3A_245 : vector<16xi32>
      %add3A_247 = arith.constant 3 : i32
      %add3A_248 = vector.broadcast %add3A_247 : i32 to vector<16xi32>
      %add3A_249 = arith.addi %scan3A_236, %add3A_248 : vector<16xi32>
      %add3A_250 = arith.constant 3 : i32
      %add3A_251 = vector.broadcast %add3A_250 : i32 to vector<16xi32>
      %add3A_252 = arith.addi %scan3A_237, %add3A_251 : vector<16xi32>
      %slice3A = vector.extract_strided_slice %get3A_240 {offsets = [0], sizes = [1], strides = [1]} : vector<16xf32> to vector<1xf32>
      %squeeze3A = vector.extract %slice3A[0] : f32 from vector<1xf32>
      %mul3A_253 = vector.broadcast %squeeze3A : f32 to vector<16xf32>
      %mul3A_254 = arith.mulf %gather3A_241, %mul3A_253 : vector<16xf32>
      %add3A_255 = arith.addf %scan3A_229, %mul3A_254 : vector<16xf32>
      %mul3A_256 = vector.broadcast %squeeze3A : f32 to vector<16xf32>
      %mul3A_257 = arith.mulf %gather3A_242, %mul3A_256 : vector<16xf32>
      %add3A_258 = arith.addf %scan3A_230, %mul3A_257 : vector<16xf32>
      %mul3A_259 = vector.broadcast %squeeze3A : f32 to vector<16xf32>
      %mul3A_260 = arith.mulf %gather3A_243, %mul3A_259 : vector<16xf32>
      %add3A_261 = arith.addf %scan3A_231, %mul3A_260 : vector<16xf32>
      %gather3A_262 = tpu.vector_load_idx %arg6[%iota3A, %add3A_246] : memref<16x1536xf32, #tpu.memory_space<vmem>>[vector<16xi32>, vector<16xi32>], vector<16xf32>,
      %gather3A_263 = tpu.vector_load_idx %arg6[%iota3A, %add3A_249] : memref<16x1536xf32, #tpu.memory_space<vmem>>[vector<16xi32>, vector<16xi32>], vector<16xf32>,
      %gather3A_264 = tpu.vector_load_idx %arg6[%iota3A, %add3A_252] : memref<16x1536xf32, #tpu.memory_space<vmem>>[vector<16xi32>, vector<16xi32>], vector<16xf32>,
      %add3A_265 = arith.constant 3 : i32
      %add3A_266 = vector.broadcast %add3A_265 : i32 to vector<16xi32>
      %add3A_267 = arith.addi %add3A_246, %add3A_266 : vector<16xi32>
      %add3A_268 = arith.constant 3 : i32
      %add3A_269 = vector.broadcast %add3A_268 : i32 to vector<16xi32>
      %add3A_270 = arith.addi %add3A_249, %add3A_269 : vector<16xi32>
      %add3A_271 = arith.constant 3 : i32
      %add3A_272 = vector.broadcast %add3A_271 : i32 to vector<16xi32>
      %add3A_273 = arith.addi %add3A_252, %add3A_272 : vector<16xi32>
      %slice3A_274 = vector.extract_strided_slice %get3A_240 {offsets = [1], sizes = [1], strides = [1]} : vector<16xf32> to vector<1xf32>
      %squeeze3A_275 = vector.extract %slice3A_274[0] : f32 from vector<1xf32>
      %mul3A_276 = vector.broadcast %squeeze3A_275 : f32 to vector<16xf32>
      %mul3A_277 = arith.mulf %gather3A_262, %mul3A_276 : vector<16xf32>
      %add3A_278 = arith.addf %scan3A_232, %mul3A_277 : vector<16xf32>
      %mul3A_279 = vector.broadcast %squeeze3A_275 : f32 to vector<16xf32>
      %mul3A_280 = arith.mulf %gather3A_263, %mul3A_279 : vector<16xf32>
      %add3A_281 = arith.addf %scan3A_233, %mul3A_280 : vector<16xf32>
      %mul3A_282 = vector.broadcast %squeeze3A_275 : f32 to vector<16xf32>
      %mul3A_283 = arith.mulf %gather3A_264, %mul3A_282 : vector<16xf32>
      %add3A_284 = arith.addf %scan3A_234, %mul3A_283 : vector<16xf32>
      %gather3A_285 = tpu.vector_load_idx %arg6[%iota3A, %add3A_267] : memref<16x1536xf32, #tpu.memory_space<vmem>>[vector<16xi32>, vector<16xi32>], vector<16xf32>,
      %gather3A_286 = tpu.vector_load_idx %arg6[%iota3A, %add3A_270] : memref<16x1536xf32, #tpu.memory_space<vmem>>[vector<16xi32>, vector<16xi32>], vector<16xf32>,
      %gather3A_287 = tpu.vector_load_idx %arg6[%iota3A, %add3A_273] : memref<16x1536xf32, #tpu.memory_space<vmem>>[vector<16xi32>, vector<16xi32>], vector<16xf32>,
      %add3A_288 = arith.constant 3 : i32
      %add3A_289 = vector.broadcast %add3A_288 : i32 to vector<16xi32>
      %add3A_290 = arith.addi %add3A_267, %add3A_289 : vector<16xi32>
      %add3A_291 = arith.constant 3 : i32
      %add3A_292 = vector.broadcast %add3A_291 : i32 to vector<16xi32>
      %add3A_293 = arith.addi %add3A_270, %add3A_292 : vector<16xi32>
      %add3A_294 = arith.constant 3 : i32
      %add3A_295 = vector.broadcast %add3A_294 : i32 to vector<16xi32>
      %add3A_296 = arith.addi %add3A_273, %add3A_295 : vector<16xi32>
      %slice3A_297 = vector.extract_strided_slice %get3A_240 {offsets = [2], sizes = [1], strides = [1]} : vector<16xf32> to vector<1xf32>
      %squeeze3A_298 = vector.extract %slice3A_297[0] : f32 from vector<1xf32>
      %mul3A_299 = vector.broadcast %squeeze3A_298 : f32 to vector<16xf32>
      %mul3A_300 = arith.mulf %gather3A_285, %mul3A_299 : vector<16xf32>
      %add3A_301 = arith.addf %add3A_255, %mul3A_300 : vector<16xf32>
      %mul3A_302 = vector.broadcast %squeeze3A_298 : f32 to vector<16xf32>
      %mul3A_303 = arith.mulf %gather3A_286, %mul3A_302 : vector<16xf32>
      %add3A_304 = arith.addf %add3A_258, %mul3A_303 : vector<16xf32>
      %mul3A_305 = vector.broadcast %squeeze3A_298 : f32 to vector<16xf32>
      %mul3A_306 = arith.mulf %gather3A_287, %mul3A_305 : vector<16xf32>
      %add3A_307 = arith.addf %add3A_261, %mul3A_306 : vector<16xf32>
      %gather3A_308 = tpu.vector_load_idx %arg6[%iota3A, %add3A_290] : memref<16x1536xf32, #tpu.memory_space<vmem>>[vector<16xi32>, vector<16xi32>], vector<16xf32>,
      %gather3A_309 = tpu.vector_load_idx %arg6[%iota3A, %add3A_293] : memref<16x1536xf32, #tpu.memory_space<vmem>>[vector<16xi32>, vector<16xi32>], vector<16xf32>,
      %gather3A_310 = tpu.vector_load_idx %arg6[%iota3A, %add3A_296] : memref<16x1536xf32, #tpu.memory_space<vmem>>[vector<16xi32>, vector<16xi32>], vector<16xf32>,
      %add3A_311 = arith.constant 3 : i32
      %add3A_312 = vector.broadcast %add3A_311 : i32 to vector<16xi32>
      %add3A_313 = arith.addi %add3A_290, %add3A_312 : vector<16xi32>
      %add3A_314 = arith.constant 3 : i32
      %add3A_315 = vector.broadcast %add3A_314 : i32 to vector<16xi32>
      %add3A_316 = arith.addi %add3A_293, %add3A_315 : vector<16xi32>
      %add3A_317 = arith.constant 3 : i32
      %add3A_318 = vector.broadcast %add3A_317 : i32 to vector<16xi32>
      %add3A_319 = arith.addi %add3A_296, %add3A_318 : vector<16xi32>
      %slice3A_320 = vector.extract_strided_slice %get3A_240 {offsets = [3], sizes = [1], strides = [1]} : vector<16xf32> to vector<1xf32>
      %squeeze3A_321 = vector.extract %slice3A_320[0] : f32 from vector<1xf32>
      %mul3A_322 = vector.broadcast %squeeze3A_321 : f32 to vector<16xf32>
      %mul3A_323 = arith.mulf %gather3A_308, %mul3A_322 : vector<16xf32>
      %add3A_324 = arith.addf %add3A_278, %mul3A_323 : vector<16xf32>
      %mul3A_325 = vector.broadcast %squeeze3A_321 : f32 to vector<16xf32>
      %mul3A_326 = arith.mulf %gather3A_309, %mul3A_325 : vector<16xf32>
      %add3A_327 = arith.addf %add3A_281, %mul3A_326 : vector<16xf32>
      %mul3A_328 = vector.broadcast %squeeze3A_321 : f32 to vector<16xf32>
      %mul3A_329 = arith.mulf %gather3A_310, %mul3A_328 : vector<16xf32>
      %add3A_330 = arith.addf %add3A_284, %mul3A_329 : vector<16xf32>
      %gather3A_331 = tpu.vector_load_idx %arg6[%iota3A, %add3A_313] : memref<16x1536xf32, #tpu.memory_space<vmem>>[vector<16xi32>, vector<16xi32>], vector<16xf32>,
      %gather3A_332 = tpu.vector_load_idx %arg6[%iota3A, %add3A_316] : memref<16x1536xf32, #tpu.memory_space<vmem>>[vector<16xi32>, vector<16xi32>], vector<16xf32>,
      %gather3A_333 = tpu.vector_load_idx %arg6[%iota3A, %add3A_319] : memref<16x1536xf32, #tpu.memory_space<vmem>>[vector<16xi32>, vector<16xi32>], vector<16xf32>,
      %add3A_334 = arith.constant 3 : i32
      %add3A_335 = vector.broadcast %add3A_334 : i32 to vector<16xi32>
      %add3A_336 = arith.addi %add3A_313, %add3A_335 : vector<16xi32>
      %add3A_337 = arith.constant 3 : i32
      %add3A_338 = vector.broadcast %add3A_337 : i32 to vector<16xi32>
      %add3A_339 = arith.addi %add3A_316, %add3A_338 : vector<16xi32>
      %add3A_340 = arith.constant 3 : i32
      %add3A_341 = vector.broadcast %add3A_340 : i32 to vector<16xi32>
      %add3A_342 = arith.addi %add3A_319, %add3A_341 : vector<16xi32>
      %slice3A_343 = vector.extract_strided_slice %get3A_240 {offsets = [4], sizes = [1], strides = [1]} : vector<16xf32> to vector<1xf32>
      %squeeze3A_344 = vector.extract %slice3A_343[0] : f32 from vector<1xf32>
      %mul3A_345 = vector.broadcast %squeeze3A_344 : f32 to vector<16xf32>
      %mul3A_346 = arith.mulf %gather3A_331, %mul3A_345 : vector<16xf32>
      %add3A_347 = arith.addf %add3A_301, %mul3A_346 : vector<16xf32>
      %mul3A_348 = vector.broadcast %squeeze3A_344 : f32 to vector<16xf32>
      %mul3A_349 = arith.mulf %gather3A_332, %mul3A_348 : vector<16xf32>
      %add3A_350 = arith.addf %add3A_304, %mul3A_349 : vector<16xf32>
      %mul3A_351 = vector.broadcast %squeeze3A_344 : f32 to vector<16xf32>
      %mul3A_352 = arith.mulf %gather3A_333, %mul3A_351 : vector<16xf32>
      %add3A_353 = arith.addf %add3A_307, %mul3A_352 : vector<16xf32>
      %gather3A_354 = tpu.vector_load_idx %arg6[%iota3A, %add3A_336] : memref<16x1536xf32, #tpu.memory_space<vmem>>[vector<16xi32>, vector<16xi32>], vector<16xf32>,
      %gather3A_355 = tpu.vector_load_idx %arg6[%iota3A, %add3A_339] : memref<16x1536xf32, #tpu.memory_space<vmem>>[vector<16xi32>, vector<16xi32>], vector<16xf32>,
      %gather3A_356 = tpu.vector_load_idx %arg6[%iota3A, %add3A_342] : memref<16x1536xf32, #tpu.memory_space<vmem>>[vector<16xi32>, vector<16xi32>], vector<16xf32>,
      %add3A_357 = arith.constant 3 : i32
      %add3A_358 = vector.broadcast %add3A_357 : i32 to vector<16xi32>
      %add3A_359 = arith.addi %add3A_336, %add3A_358 : vector<16xi32>
      %add3A_360 = arith.constant 3 : i32
      %add3A_361 = vector.broadcast %add3A_360 : i32 to vector<16xi32>
      %add3A_362 = arith.addi %add3A_339, %add3A_361 : vector<16xi32>
      %add3A_363 = arith.constant 3 : i32
      %add3A_364 = vector.broadcast %add3A_363 : i32 to vector<16xi32>
      %add3A_365 = arith.addi %add3A_342, %add3A_364 : vector<16xi32>
      %slice3A_366 = vector.extract_strided_slice %get3A_240 {offsets = [5], sizes = [1], strides = [1]} : vector<16xf32> to vector<1xf32>
      %squeeze3A_367 = vector.extract %slice3A_366[0] : f32 from vector<1xf32>
      %mul3A_368 = vector.broadcast %squeeze3A_367 : f32 to vector<16xf32>
      %mul3A_369 = arith.mulf %gather3A_354, %mul3A_368 : vector<16xf32>
      %add3A_370 = arith.addf %add3A_324, %mul3A_369 : vector<16xf32>
      %mul3A_371 = vector.broadcast %squeeze3A_367 : f32 to vector<16xf32>
      %mul3A_372 = arith.mulf %gather3A_355, %mul3A_371 : vector<16xf32>
      %add3A_373 = arith.addf %add3A_327, %mul3A_372 : vector<16xf32>
      %mul3A_374 = vector.broadcast %squeeze3A_367 : f32 to vector<16xf32>
      %mul3A_375 = arith.mulf %gather3A_356, %mul3A_374 : vector<16xf32>
      %add3A_376 = arith.addf %add3A_330, %mul3A_375 : vector<16xf32>
      %gather3A_377 = tpu.vector_load_idx %arg6[%iota3A, %add3A_359] : memref<16x1536xf32, #tpu.memory_space<vmem>>[vector<16xi32>, vector<16xi32>], vector<16xf32>,
      %gather3A_378 = tpu.vector_load_idx %arg6[%iota3A, %add3A_362] : memref<16x1536xf32, #tpu.memory_space<vmem>>[vector<16xi32>, vector<16xi32>], vector<16xf32>,
      %gather3A_379 = tpu.vector_load_idx %arg6[%iota3A, %add3A_365] : memref<16x1536xf32, #tpu.memory_space<vmem>>[vector<16xi32>, vector<16xi32>], vector<16xf32>,
      %add3A_380 = arith.constant 3 : i32
      %add3A_381 = vector.broadcast %add3A_380 : i32 to vector<16xi32>
      %add3A_382 = arith.addi %add3A_359, %add3A_381 : vector<16xi32>
      %add3A_383 = arith.constant 3 : i32
      %add3A_384 = vector.broadcast %add3A_383 : i32 to vector<16xi32>
      %add3A_385 = arith.addi %add3A_362, %add3A_384 : vector<16xi32>
      %add3A_386 = arith.constant 3 : i32
      %add3A_387 = vector.broadcast %add3A_386 : i32 to vector<16xi32>
      %add3A_388 = arith.addi %add3A_365, %add3A_387 : vector<16xi32>
      %slice3A_389 = vector.extract_strided_slice %get3A_240 {offsets = [6], sizes = [1], strides = [1]} : vector<16xf32> to vector<1xf32>
      %squeeze3A_390 = vector.extract %slice3A_389[0] : f32 from vector<1xf32>
      %mul3A_391 = vector.broadcast %squeeze3A_390 : f32 to vector<16xf32>
      %mul3A_392 = arith.mulf %gather3A_377, %mul3A_391 : vector<16xf32>
      %add3A_393 = arith.addf %add3A_347, %mul3A_392 : vector<16xf32>
      %mul3A_394 = vector.broadcast %squeeze3A_390 : f32 to vector<16xf32>
      %mul3A_395 = arith.mulf %gather3A_378, %mul3A_394 : vector<16xf32>
      %add3A_396 = arith.addf %add3A_350, %mul3A_395 : vector<16xf32>
      %mul3A_397 = vector.broadcast %squeeze3A_390 : f32 to vector<16xf32>
      %mul3A_398 = arith.mulf %gather3A_379, %mul3A_397 : vector<16xf32>
      %add3A_399 = arith.addf %add3A_353, %mul3A_398 : vector<16xf32>
      %gather3A_400 = tpu.vector_load_idx %arg6[%iota3A, %add3A_382] : memref<16x1536xf32, #tpu.memory_space<vmem>>[vector<16xi32>, vector<16xi32>], vector<16xf32>,
      %gather3A_401 = tpu.vector_load_idx %arg6[%iota3A, %add3A_385] : memref<16x1536xf32, #tpu.memory_space<vmem>>[vector<16xi32>, vector<16xi32>], vector<16xf32>,
      %gather3A_402 = tpu.vector_load_idx %arg6[%iota3A, %add3A_388] : memref<16x1536xf32, #tpu.memory_space<vmem>>[vector<16xi32>, vector<16xi32>], vector<16xf32>,
      %add3A_403 = arith.constant 3 : i32
      %add3A_404 = vector.broadcast %add3A_403 : i32 to vector<16xi32>
      %add3A_405 = arith.addi %add3A_382, %add3A_404 : vector<16xi32>
      %add3A_406 = arith.constant 3 : i32
      %add3A_407 = vector.broadcast %add3A_406 : i32 to vector<16xi32>
      %add3A_408 = arith.addi %add3A_385, %add3A_407 : vector<16xi32>
      %add3A_409 = arith.constant 3 : i32
      %add3A_410 = vector.broadcast %add3A_409 : i32 to vector<16xi32>
      %add3A_411 = arith.addi %add3A_388, %add3A_410 : vector<16xi32>
      %slice3A_412 = vector.extract_strided_slice %get3A_240 {offsets = [7], sizes = [1], strides = [1]} : vector<16xf32> to vector<1xf32>
      %squeeze3A_413 = vector.extract %slice3A_412[0] : f32 from vector<1xf32>
      %mul3A_414 = vector.broadcast %squeeze3A_413 : f32 to vector<16xf32>
      %mul3A_415 = arith.mulf %gather3A_400, %mul3A_414 : vector<16xf32>
      %add3A_416 = arith.addf %add3A_370, %mul3A_415 : vector<16xf32>
      %mul3A_417 = vector.broadcast %squeeze3A_413 : f32 to vector<16xf32>
      %mul3A_418 = arith.mulf %gather3A_401, %mul3A_417 : vector<16xf32>
      %add3A_419 = arith.addf %add3A_373, %mul3A_418 : vector<16xf32>
      %mul3A_420 = vector.broadcast %squeeze3A_413 : f32 to vector<16xf32>
      %mul3A_421 = arith.mulf %gather3A_402, %mul3A_420 : vector<16xf32>
      %add3A_422 = arith.addf %add3A_376, %mul3A_421 : vector<16xf32>
      %gather3A_423 = tpu.vector_load_idx %arg6[%iota3A, %add3A_405] : memref<16x1536xf32, #tpu.memory_space<vmem>>[vector<16xi32>, vector<16xi32>], vector<16xf32>,
      %gather3A_424 = tpu.vector_load_idx %arg6[%iota3A, %add3A_408] : memref<16x1536xf32, #tpu.memory_space<vmem>>[vector<16xi32>, vector<16xi32>], vector<16xf32>,
      %gather3A_425 = tpu.vector_load_idx %arg6[%iota3A, %add3A_411] : memref<16x1536xf32, #tpu.memory_space<vmem>>[vector<16xi32>, vector<16xi32>], vector<16xf32>,
      %add3A_426 = arith.constant 3 : i32
      %add3A_427 = vector.broadcast %add3A_426 : i32 to vector<16xi32>
      %add3A_428 = arith.addi %add3A_405, %add3A_427 : vector<16xi32>
      %add3A_429 = arith.constant 3 : i32
      %add3A_430 = vector.broadcast %add3A_429 : i32 to vector<16xi32>
      %add3A_431 = arith.addi %add3A_408, %add3A_430 : vector<16xi32>
      %add3A_432 = arith.constant 3 : i32
      %add3A_433 = vector.broadcast %add3A_432 : i32 to vector<16xi32>
      %add3A_434 = arith.addi %add3A_411, %add3A_433 : vector<16xi32>
      %slice3A_435 = vector.extract_strided_slice %get3A_240 {offsets = [8], sizes = [1], strides = [1]} : vector<16xf32> to vector<1xf32>
      %squeeze3A_436 = vector.extract %slice3A_435[0] : f32 from vector<1xf32>
      %mul3A_437 = vector.broadcast %squeeze3A_436 : f32 to vector<16xf32>
      %mul3A_438 = arith.mulf %gather3A_423, %mul3A_437 : vector<16xf32>
      %add3A_439 = arith.addf %add3A_393, %mul3A_438 : vector<16xf32>
      %mul3A_440 = vector.broadcast %squeeze3A_436 : f32 to vector<16xf32>
      %mul3A_441 = arith.mulf %gather3A_424, %mul3A_440 : vector<16xf32>
      %add3A_442 = arith.addf %add3A_396, %mul3A_441 : vector<16xf32>
      %mul3A_443 = vector.broadcast %squeeze3A_436 : f32 to vector<16xf32>
      %mul3A_444 = arith.mulf %gather3A_425, %mul3A_443 : vector<16xf32>
      %add3A_445 = arith.addf %add3A_399, %mul3A_444 : vector<16xf32>
      %gather3A_446 = tpu.vector_load_idx %arg6[%iota3A, %add3A_428] : memref<16x1536xf32, #tpu.memory_space<vmem>>[vector<16xi32>, vector<16xi32>], vector<16xf32>,
      %gather3A_447 = tpu.vector_load_idx %arg6[%iota3A, %add3A_431] : memref<16x1536xf32, #tpu.memory_space<vmem>>[vector<16xi32>, vector<16xi32>], vector<16xf32>,
      %gather3A_448 = tpu.vector_load_idx %arg6[%iota3A, %add3A_434] : memref<16x1536xf32, #tpu.memory_space<vmem>>[vector<16xi32>, vector<16xi32>], vector<16xf32>,
      %add3A_449 = arith.constant 3 : i32
      %add3A_450 = vector.broadcast %add3A_449 : i32 to vector<16xi32>
      %add3A_451 = arith.addi %add3A_428, %add3A_450 : vector<16xi32>
      %add3A_452 = arith.constant 3 : i32
      %add3A_453 = vector.broadcast %add3A_452 : i32 to vector<16xi32>
      %add3A_454 = arith.addi %add3A_431, %add3A_453 : vector<16xi32>
      %add3A_455 = arith.constant 3 : i32
      %add3A_456 = vector.broadcast %add3A_455 : i32 to vector<16xi32>
      %add3A_457 = arith.addi %add3A_434, %add3A_456 : vector<16xi32>
      %slice3A_458 = vector.extract_strided_slice %get3A_240 {offsets = [9], sizes = [1], strides = [1]} : vector<16xf32> to vector<1xf32>
      %squeeze3A_459 = vector.extract %slice3A_458[0] : f32 from vector<1xf32>
      %mul3A_460 = vector.broadcast %squeeze3A_459 : f32 to vector<16xf32>
      %mul3A_461 = arith.mulf %gather3A_446, %mul3A_460 : vector<16xf32>
      %add3A_462 = arith.addf %add3A_416, %mul3A_461 : vector<16xf32>
      %mul3A_463 = vector.broadcast %squeeze3A_459 : f32 to vector<16xf32>
      %mul3A_464 = arith.mulf %gather3A_447, %mul3A_463 : vector<16xf32>
      %add3A_465 = arith.addf %add3A_419, %mul3A_464 : vector<16xf32>
      %mul3A_466 = vector.broadcast %squeeze3A_459 : f32 to vector<16xf32>
      %mul3A_467 = arith.mulf %gather3A_448, %mul3A_466 : vector<16xf32>
      %add3A_468 = arith.addf %add3A_422, %mul3A_467 : vector<16xf32>
      %gather3A_469 = tpu.vector_load_idx %arg6[%iota3A, %add3A_451] : memref<16x1536xf32, #tpu.memory_space<vmem>>[vector<16xi32>, vector<16xi32>], vector<16xf32>,
      %gather3A_470 = tpu.vector_load_idx %arg6[%iota3A, %add3A_454] : memref<16x1536xf32, #tpu.memory_space<vmem>>[vector<16xi32>, vector<16xi32>], vector<16xf32>,
      %gather3A_471 = tpu.vector_load_idx %arg6[%iota3A, %add3A_457] : memref<16x1536xf32, #tpu.memory_space<vmem>>[vector<16xi32>, vector<16xi32>], vector<16xf32>,
      %add3A_472 = arith.constant 3 : i32
      %add3A_473 = vector.broadcast %add3A_472 : i32 to vector<16xi32>
      %add3A_474 = arith.addi %add3A_451, %add3A_473 : vector<16xi32>
      %add3A_475 = arith.constant 3 : i32
      %add3A_476 = vector.broadcast %add3A_475 : i32 to vector<16xi32>
      %add3A_477 = arith.addi %add3A_454, %add3A_476 : vector<16xi32>
      %add3A_478 = arith.constant 3 : i32
      %add3A_479 = vector.broadcast %add3A_478 : i32 to vector<16xi32>
      %add3A_480 = arith.addi %add3A_457, %add3A_479 : vector<16xi32>
      %slice3A_481 = vector.extract_strided_slice %get3A_240 {offsets = [10], sizes = [1], strides = [1]} : vector<16xf32> to vector<1xf32>
      %squeeze3A_482 = vector.extract %slice3A_481[0] : f32 from vector<1xf32>
      %mul3A_483 = vector.broadcast %squeeze3A_482 : f32 to vector<16xf32>
      %mul3A_484 = arith.mulf %gather3A_469, %mul3A_483 : vector<16xf32>
      %add3A_485 = arith.addf %add3A_439, %mul3A_484 : vector<16xf32>
      %mul3A_486 = vector.broadcast %squeeze3A_482 : f32 to vector<16xf32>
      %mul3A_487 = arith.mulf %gather3A_470, %mul3A_486 : vector<16xf32>
      %add3A_488 = arith.addf %add3A_442, %mul3A_487 : vector<16xf32>
      %mul3A_489 = vector.broadcast %squeeze3A_482 : f32 to vector<16xf32>
      %mul3A_490 = arith.mulf %gather3A_471, %mul3A_489 : vector<16xf32>
      %add3A_491 = arith.addf %add3A_445, %mul3A_490 : vector<16xf32>
      %gather3A_492 = tpu.vector_load_idx %arg6[%iota3A, %add3A_474] : memref<16x1536xf32, #tpu.memory_space<vmem>>[vector<16xi32>, vector<16xi32>], vector<16xf32>,
      %gather3A_493 = tpu.vector_load_idx %arg6[%iota3A, %add3A_477] : memref<16x1536xf32, #tpu.memory_space<vmem>>[vector<16xi32>, vector<16xi32>], vector<16xf32>,
      %gather3A_494 = tpu.vector_load_idx %arg6[%iota3A, %add3A_480] : memref<16x1536xf32, #tpu.memory_space<vmem>>[vector<16xi32>, vector<16xi32>], vector<16xf32>,
      %add3A_495 = arith.constant 3 : i32
      %add3A_496 = vector.broadcast %add3A_495 : i32 to vector<16xi32>
      %add3A_497 = arith.addi %add3A_474, %add3A_496 : vector<16xi32>
      %add3A_498 = arith.constant 3 : i32
      %add3A_499 = vector.broadcast %add3A_498 : i32 to vector<16xi32>
      %add3A_500 = arith.addi %add3A_477, %add3A_499 : vector<16xi32>
      %add3A_501 = arith.constant 3 : i32
      %add3A_502 = vector.broadcast %add3A_501 : i32 to vector<16xi32>
      %add3A_503 = arith.addi %add3A_480, %add3A_502 : vector<16xi32>
      %slice3A_504 = vector.extract_strided_slice %get3A_240 {offsets = [11], sizes = [1], strides = [1]} : vector<16xf32> to vector<1xf32>
      %squeeze3A_505 = vector.extract %slice3A_504[0] : f32 from vector<1xf32>
      %mul3A_506 = vector.broadcast %squeeze3A_505 : f32 to vector<16xf32>
      %mul3A_507 = arith.mulf %gather3A_492, %mul3A_506 : vector<16xf32>
      %add3A_508 = arith.addf %add3A_462, %mul3A_507 : vector<16xf32>
      %mul3A_509 = vector.broadcast %squeeze3A_505 : f32 to vector<16xf32>
      %mul3A_510 = arith.mulf %gather3A_493, %mul3A_509 : vector<16xf32>
      %add3A_511 = arith.addf %add3A_465, %mul3A_510 : vector<16xf32>
      %mul3A_512 = vector.broadcast %squeeze3A_505 : f32 to vector<16xf32>
      %mul3A_513 = arith.mulf %gather3A_494, %mul3A_512 : vector<16xf32>
      %add3A_514 = arith.addf %add3A_468, %mul3A_513 : vector<16xf32>
      %gather3A_515 = tpu.vector_load_idx %arg6[%iota3A, %add3A_497] : memref<16x1536xf32, #tpu.memory_space<vmem>>[vector<16xi32>, vector<16xi32>], vector<16xf32>,
      %gather3A_516 = tpu.vector_load_idx %arg6[%iota3A, %add3A_500] : memref<16x1536xf32, #tpu.memory_space<vmem>>[vector<16xi32>, vector<16xi32>], vector<16xf32>,
      %gather3A_517 = tpu.vector_load_idx %arg6[%iota3A, %add3A_503] : memref<16x1536xf32, #tpu.memory_space<vmem>>[vector<16xi32>, vector<16xi32>], vector<16xf32>,
      %add3A_518 = arith.constant 3 : i32
      %add3A_519 = vector.broadcast %add3A_518 : i32 to vector<16xi32>
      %add3A_520 = arith.addi %add3A_497, %add3A_519 : vector<16xi32>
      %add3A_521 = arith.constant 3 : i32
      %add3A_522 = vector.broadcast %add3A_521 : i32 to vector<16xi32>
      %add3A_523 = arith.addi %add3A_500, %add3A_522 : vector<16xi32>
      %add3A_524 = arith.constant 3 : i32
      %add3A_525 = vector.broadcast %add3A_524 : i32 to vector<16xi32>
      %add3A_526 = arith.addi %add3A_503, %add3A_525 : vector<16xi32>
      %slice3A_527 = vector.extract_strided_slice %get3A_240 {offsets = [12], sizes = [1], strides = [1]} : vector<16xf32> to vector<1xf32>
      %squeeze3A_528 = vector.extract %slice3A_527[0] : f32 from vector<1xf32>
      %mul3A_529 = vector.broadcast %squeeze3A_528 : f32 to vector<16xf32>
      %mul3A_530 = arith.mulf %gather3A_515, %mul3A_529 : vector<16xf32>
      %add3A_531 = arith.addf %add3A_485, %mul3A_530 : vector<16xf32>
      %mul3A_532 = vector.broadcast %squeeze3A_528 : f32 to vector<16xf32>
      %mul3A_533 = arith.mulf %gather3A_516, %mul3A_532 : vector<16xf32>
      %add3A_534 = arith.addf %add3A_488, %mul3A_533 : vector<16xf32>
      %mul3A_535 = vector.broadcast %squeeze3A_528 : f32 to vector<16xf32>
      %mul3A_536 = arith.mulf %gather3A_517, %mul3A_535 : vector<16xf32>
      %add3A_537 = arith.addf %add3A_491, %mul3A_536 : vector<16xf32>
      %gather3A_538 = tpu.vector_load_idx %arg6[%iota3A, %add3A_520] : memref<16x1536xf32, #tpu.memory_space<vmem>>[vector<16xi32>, vector<16xi32>], vector<16xf32>,
      %gather3A_539 = tpu.vector_load_idx %arg6[%iota3A, %add3A_523] : memref<16x1536xf32, #tpu.memory_space<vmem>>[vector<16xi32>, vector<16xi32>], vector<16xf32>,
      %gather3A_540 = tpu.vector_load_idx %arg6[%iota3A, %add3A_526] : memref<16x1536xf32, #tpu.memory_space<vmem>>[vector<16xi32>, vector<16xi32>], vector<16xf32>,
      %add3A_541 = arith.constant 3 : i32
      %add3A_542 = vector.broadcast %add3A_541 : i32 to vector<16xi32>
      %add3A_543 = arith.addi %add3A_520, %add3A_542 : vector<16xi32>
      %add3A_544 = arith.constant 3 : i32
      %add3A_545 = vector.broadcast %add3A_544 : i32 to vector<16xi32>
      %add3A_546 = arith.addi %add3A_523, %add3A_545 : vector<16xi32>
      %add3A_547 = arith.constant 3 : i32
      %add3A_548 = vector.broadcast %add3A_547 : i32 to vector<16xi32>
      %add3A_549 = arith.addi %add3A_526, %add3A_548 : vector<16xi32>
      %slice3A_550 = vector.extract_strided_slice %get3A_240 {offsets = [13], sizes = [1], strides = [1]} : vector<16xf32> to vector<1xf32>
      %squeeze3A_551 = vector.extract %slice3A_550[0] : f32 from vector<1xf32>
      %mul3A_552 = vector.broadcast %squeeze3A_551 : f32 to vector<16xf32>
      %mul3A_553 = arith.mulf %gather3A_538, %mul3A_552 : vector<16xf32>
      %add3A_554 = arith.addf %add3A_508, %mul3A_553 : vector<16xf32>
      %mul3A_555 = vector.broadcast %squeeze3A_551 : f32 to vector<16xf32>
      %mul3A_556 = arith.mulf %gather3A_539, %mul3A_555 : vector<16xf32>
      %add3A_557 = arith.addf %add3A_511, %mul3A_556 : vector<16xf32>
      %mul3A_558 = vector.broadcast %squeeze3A_551 : f32 to vector<16xf32>
      %mul3A_559 = arith.mulf %gather3A_540, %mul3A_558 : vector<16xf32>
      %add3A_560 = arith.addf %add3A_514, %mul3A_559 : vector<16xf32>
      %gather3A_561 = tpu.vector_load_idx %arg6[%iota3A, %add3A_543] : memref<16x1536xf32, #tpu.memory_space<vmem>>[vector<16xi32>, vector<16xi32>], vector<16xf32>,
      %gather3A_562 = tpu.vector_load_idx %arg6[%iota3A, %add3A_546] : memref<16x1536xf32, #tpu.memory_space<vmem>>[vector<16xi32>, vector<16xi32>], vector<16xf32>,
      %gather3A_563 = tpu.vector_load_idx %arg6[%iota3A, %add3A_549] : memref<16x1536xf32, #tpu.memory_space<vmem>>[vector<16xi32>, vector<16xi32>], vector<16xf32>,
      %add3A_564 = arith.constant 3 : i32
      %add3A_565 = vector.broadcast %add3A_564 : i32 to vector<16xi32>
      %add3A_566 = arith.addi %add3A_543, %add3A_565 : vector<16xi32>
      %add3A_567 = arith.constant 3 : i32
      %add3A_568 = vector.broadcast %add3A_567 : i32 to vector<16xi32>
      %add3A_569 = arith.addi %add3A_546, %add3A_568 : vector<16xi32>
      %add3A_570 = arith.constant 3 : i32
      %add3A_571 = vector.broadcast %add3A_570 : i32 to vector<16xi32>
      %add3A_572 = arith.addi %add3A_549, %add3A_571 : vector<16xi32>
      %slice3A_573 = vector.extract_strided_slice %get3A_240 {offsets = [14], sizes = [1], strides = [1]} : vector<16xf32> to vector<1xf32>
      %squeeze3A_574 = vector.extract %slice3A_573[0] : f32 from vector<1xf32>
      %mul3A_575 = vector.broadcast %squeeze3A_574 : f32 to vector<16xf32>
      %mul3A_576 = arith.mulf %gather3A_561, %mul3A_575 : vector<16xf32>
      %add3A_577 = arith.addf %add3A_531, %mul3A_576 : vector<16xf32>
      %mul3A_578 = vector.broadcast %squeeze3A_574 : f32 to vector<16xf32>
      %mul3A_579 = arith.mulf %gather3A_562, %mul3A_578 : vector<16xf32>
      %add3A_580 = arith.addf %add3A_534, %mul3A_579 : vector<16xf32>
      %mul3A_581 = vector.broadcast %squeeze3A_574 : f32 to vector<16xf32>
      %mul3A_582 = arith.mulf %gather3A_563, %mul3A_581 : vector<16xf32>
      %add3A_583 = arith.addf %add3A_537, %mul3A_582 : vector<16xf32>
      %gather3A_584 = tpu.vector_load_idx %arg6[%iota3A, %add3A_566] : memref<16x1536xf32, #tpu.memory_space<vmem>>[vector<16xi32>, vector<16xi32>], vector<16xf32>,
      %gather3A_585 = tpu.vector_load_idx %arg6[%iota3A, %add3A_569] : memref<16x1536xf32, #tpu.memory_space<vmem>>[vector<16xi32>, vector<16xi32>], vector<16xf32>,
      %gather3A_586 = tpu.vector_load_idx %arg6[%iota3A, %add3A_572] : memref<16x1536xf32, #tpu.memory_space<vmem>>[vector<16xi32>, vector<16xi32>], vector<16xf32>,
      %add3A_587 = arith.constant 3 : i32
      %add3A_588 = vector.broadcast %add3A_587 : i32 to vector<16xi32>
      %add3A_589 = arith.addi %add3A_566, %add3A_588 : vector<16xi32>
      %add3A_590 = arith.constant 3 : i32
      %add3A_591 = vector.broadcast %add3A_590 : i32 to vector<16xi32>
      %add3A_592 = arith.addi %add3A_569, %add3A_591 : vector<16xi32>
      %add3A_593 = arith.constant 3 : i32
      %add3A_594 = vector.broadcast %add3A_593 : i32 to vector<16xi32>
      %add3A_595 = arith.addi %add3A_572, %add3A_594 : vector<16xi32>
      %slice3A_596 = vector.extract_strided_slice %get3A_240 {offsets = [15], sizes = [1], strides = [1]} : vector<16xf32> to vector<1xf32>
      %squeeze3A_597 = vector.extract %slice3A_596[0] : f32 from vector<1xf32>
      %mul3A_598 = vector.broadcast %squeeze3A_597 : f32 to vector<16xf32>
      %mul3A_599 = arith.mulf %gather3A_584, %mul3A_598 : vector<16xf32>
      %add3A_600 = arith.addf %add3A_554, %mul3A_599 : vector<16xf32>
      %mul3A_601 = vector.broadcast %squeeze3A_597 : f32 to vector<16xf32>
      %mul3A_602 = arith.mulf %gather3A_585, %mul3A_601 : vector<16xf32>
      %add3A_603 = arith.addf %add3A_557, %mul3A_602 : vector<16xf32>
      %mul3A_604 = vector.broadcast %squeeze3A_597 : f32 to vector<16xf32>
      %mul3A_605 = arith.mulf %gather3A_586, %mul3A_604 : vector<16xf32>
      %add3A_606 = arith.addf %add3A_560, %mul3A_605 : vector<16xf32>
      scf.yield %add3A_577, %add3A_580, %add3A_583, %add3A_600, %add3A_603, %add3A_606, %add3A_589, %add3A_592, %add3A_595 : vector<16xf32>, vector<16xf32>, vector<16xf32>, vector<16xf32>, vector<16xf32>, vector<16xf32>, vector<16xi32>, vector<16xi32>, vector<16xi32>
    }
    %scan3A_79 = arith.constant 32 : i32
    %add3A_80 = arith.addf %scan3A_78#0, %scan3A_78#3 : vector<16xf32>
    %add3A_81 = arith.addf %scan3A_78#1, %scan3A_78#4 : vector<16xf32>
    %add3A_82 = arith.addf %scan3A_78#2, %scan3A_78#5 : vector<16xf32>
    %mul3A_83 = arith.mulf %add3A_80, %add3A_80 : vector<16xf32>
    %add3A_84 = arith.addf %broadcast_in_dim3A_33, %mul3A_83 : vector<16xf32>
    %mul3A_85 = arith.mulf %add3A_81, %add3A_81 : vector<16xf32>
    %add3A_86 = arith.addf %add3A_84, %mul3A_85 : vector<16xf32>
    %mul3A_87 = arith.mulf %add3A_82, %add3A_82 : vector<16xf32>
    %add3A_88 = arith.addf %add3A_86, %mul3A_87 : vector<16xf32>
    %dma_wait3A_89 = arith.constant 0 : i32
    %dma_wait3A_90 = arith.constant 0 : i32
    %dma_wait3A_91 = tpu.memref_slice %arg3[%select_n3A, %dma_wait3A_89, %dma_wait3A_90] : memref<64x128x1536xf32, #tpu.memory_space<hbm>> -> memref<1x16x1536xf32, #tpu.memory_space<hbm>>
    %dma_wait3A_92 = tpu.memref_squeeze %dma_wait3A_91 : memref<1x16x1536xf32, #tpu.memory_space<hbm>> -> memref<16x1536xf32, #tpu.memory_space<hbm>>
    %dma_wait3A_93 = arith.constant 0 : i32
    %dma_wait3A_94 = arith.constant 0 : i32
    %dma_wait3A_95 = tpu.memref_slice %arg3[%select_n3A, %dma_wait3A_93, %dma_wait3A_94] : memref<64x128x1536xf32, #tpu.memory_space<hbm>> -> memref<1x16x1536xf32, #tpu.memory_space<hbm>>
    %dma_wait3A_96 = tpu.memref_squeeze %dma_wait3A_95 : memref<1x16x1536xf32, #tpu.memory_space<hbm>> -> memref<16x1536xf32, #tpu.memory_space<hbm>>
    tpu.wait_dma2 semaphore(%arg11 : memref<!tpu.dma_semaphore, #tpu.memory_space<semaphore_mem>>) src(%dma_wait3A_96 : memref<16x1536xf32, #tpu.memory_space<hbm>>) dst(%arg7 : memref<16x1536xf32, #tpu.memory_space<vmem>>)
    %scan3A_97 = arith.constant 0 : i32
    %scan3A_98 = arith.constant 32 : i32
    %scan3A_99 = arith.addi %scan3A_97, %scan3A_98 : i32
    %scan3A_100 = arith.constant 1 : i32
    %scan3A_101:9 = scf.for %scan3A_228 = %scan3A_97 to %scan3A_99 step %scan3A_100 iter_args(%scan3A_229 = %broadcast_in_dim3A_33, %scan3A_230 = %broadcast_in_dim3A_33, %scan3A_231 = %broadcast_in_dim3A_33, %scan3A_232 = %broadcast_in_dim3A_33, %scan3A_233 = %broadcast_in_dim3A_33, %scan3A_234 = %broadcast_in_dim3A_33, %scan3A_235 = %mul3A_55, %scan3A_236 = %add3A_61, %scan3A_237 = %add3A_67) -> (vector<16xf32>, vector<16xf32>, vector<16xf32>, vector<16xf32>, vector<16xf32>, vector<16xf32>, vector<16xi32>, vector<16xi32>, vector<16xi32>)  : i32 {
      %mul3A_238 = arith.constant 16 : i32
      %mul3A_239 = arith.muli %scan3A_228, %mul3A_238 : i32
      %get3A = arith.index_cast %mul3A_239 : i32 to index
      %get3A_240 = tpu.vector_load %arg5[%get3A] {strides = array<i32>} : memref<512xf32, #tpu.memory_space<vmem>>, vector<16xf32>,
      %gather3A_241 = tpu.vector_load_idx %arg7[%iota3A, %scan3A_235] : memref<16x1536xf32, #tpu.memory_space<vmem>>[vector<16xi32>, vector<16xi32>], vector<16xf32>,
      %gather3A_242 = tpu.vector_load_idx %arg7[%iota3A, %scan3A_236] : memref<16x1536xf32, #tpu.memory_space<vmem>>[vector<16xi32>, vector<16xi32>], vector<16xf32>,
      %gather3A_243 = tpu.vector_load_idx %arg7[%iota3A, %scan3A_237] : memref<16x1536xf32, #tpu.memory_space<vmem>>[vector<16xi32>, vector<16xi32>], vector<16xf32>,
      %add3A_244 = arith.constant 3 : i32
      %add3A_245 = vector.broadcast %add3A_244 : i32 to vector<16xi32>
      %add3A_246 = arith.addi %scan3A_235, %add3A_245 : vector<16xi32>
      %add3A_247 = arith.constant 3 : i32
      %add3A_248 = vector.broadcast %add3A_247 : i32 to vector<16xi32>
      %add3A_249 = arith.addi %scan3A_236, %add3A_248 : vector<16xi32>
      %add3A_250 = arith.constant 3 : i32
      %add3A_251 = vector.broadcast %add3A_250 : i32 to vector<16xi32>
      %add3A_252 = arith.addi %scan3A_237, %add3A_251 : vector<16xi32>
      %slice3A = vector.extract_strided_slice %get3A_240 {offsets = [0], sizes = [1], strides = [1]} : vector<16xf32> to vector<1xf32>
      %squeeze3A = vector.extract %slice3A[0] : f32 from vector<1xf32>
      %mul3A_253 = vector.broadcast %squeeze3A : f32 to vector<16xf32>
      %mul3A_254 = arith.mulf %gather3A_241, %mul3A_253 : vector<16xf32>
      %add3A_255 = arith.addf %scan3A_229, %mul3A_254 : vector<16xf32>
      %mul3A_256 = vector.broadcast %squeeze3A : f32 to vector<16xf32>
      %mul3A_257 = arith.mulf %gather3A_242, %mul3A_256 : vector<16xf32>
      %add3A_258 = arith.addf %scan3A_230, %mul3A_257 : vector<16xf32>
      %mul3A_259 = vector.broadcast %squeeze3A : f32 to vector<16xf32>
      %mul3A_260 = arith.mulf %gather3A_243, %mul3A_259 : vector<16xf32>
      %add3A_261 = arith.addf %scan3A_231, %mul3A_260 : vector<16xf32>
      %gather3A_262 = tpu.vector_load_idx %arg7[%iota3A, %add3A_246] : memref<16x1536xf32, #tpu.memory_space<vmem>>[vector<16xi32>, vector<16xi32>], vector<16xf32>,
      %gather3A_263 = tpu.vector_load_idx %arg7[%iota3A, %add3A_249] : memref<16x1536xf32, #tpu.memory_space<vmem>>[vector<16xi32>, vector<16xi32>], vector<16xf32>,
      %gather3A_264 = tpu.vector_load_idx %arg7[%iota3A, %add3A_252] : memref<16x1536xf32, #tpu.memory_space<vmem>>[vector<16xi32>, vector<16xi32>], vector<16xf32>,
      %add3A_265 = arith.constant 3 : i32
      %add3A_266 = vector.broadcast %add3A_265 : i32 to vector<16xi32>
      %add3A_267 = arith.addi %add3A_246, %add3A_266 : vector<16xi32>
      %add3A_268 = arith.constant 3 : i32
      %add3A_269 = vector.broadcast %add3A_268 : i32 to vector<16xi32>
      %add3A_270 = arith.addi %add3A_249, %add3A_269 : vector<16xi32>
      %add3A_271 = arith.constant 3 : i32
      %add3A_272 = vector.broadcast %add3A_271 : i32 to vector<16xi32>
      %add3A_273 = arith.addi %add3A_252, %add3A_272 : vector<16xi32>
      %slice3A_274 = vector.extract_strided_slice %get3A_240 {offsets = [1], sizes = [1], strides = [1]} : vector<16xf32> to vector<1xf32>
      %squeeze3A_275 = vector.extract %slice3A_274[0] : f32 from vector<1xf32>
      %mul3A_276 = vector.broadcast %squeeze3A_275 : f32 to vector<16xf32>
      %mul3A_277 = arith.mulf %gather3A_262, %mul3A_276 : vector<16xf32>
      %add3A_278 = arith.addf %scan3A_232, %mul3A_277 : vector<16xf32>
      %mul3A_279 = vector.broadcast %squeeze3A_275 : f32 to vector<16xf32>
      %mul3A_280 = arith.mulf %gather3A_263, %mul3A_279 : vector<16xf32>
      %add3A_281 = arith.addf %scan3A_233, %mul3A_280 : vector<16xf32>
      %mul3A_282 = vector.broadcast %squeeze3A_275 : f32 to vector<16xf32>
      %mul3A_283 = arith.mulf %gather3A_264, %mul3A_282 : vector<16xf32>
      %add3A_284 = arith.addf %scan3A_234, %mul3A_283 : vector<16xf32>
      %gather3A_285 = tpu.vector_load_idx %arg7[%iota3A, %add3A_267] : memref<16x1536xf32, #tpu.memory_space<vmem>>[vector<16xi32>, vector<16xi32>], vector<16xf32>,
      %gather3A_286 = tpu.vector_load_idx %arg7[%iota3A, %add3A_270] : memref<16x1536xf32, #tpu.memory_space<vmem>>[vector<16xi32>, vector<16xi32>], vector<16xf32>,
      %gather3A_287 = tpu.vector_load_idx %arg7[%iota3A, %add3A_273] : memref<16x1536xf32, #tpu.memory_space<vmem>>[vector<16xi32>, vector<16xi32>], vector<16xf32>,
      %add3A_288 = arith.constant 3 : i32
      %add3A_289 = vector.broadcast %add3A_288 : i32 to vector<16xi32>
      %add3A_290 = arith.addi %add3A_267, %add3A_289 : vector<16xi32>
      %add3A_291 = arith.constant 3 : i32
      %add3A_292 = vector.broadcast %add3A_291 : i32 to vector<16xi32>
      %add3A_293 = arith.addi %add3A_270, %add3A_292 : vector<16xi32>
      %add3A_294 = arith.constant 3 : i32
      %add3A_295 = vector.broadcast %add3A_294 : i32 to vector<16xi32>
      %add3A_296 = arith.addi %add3A_273, %add3A_295 : vector<16xi32>
      %slice3A_297 = vector.extract_strided_slice %get3A_240 {offsets = [2], sizes = [1], strides = [1]} : vector<16xf32> to vector<1xf32>
      %squeeze3A_298 = vector.extract %slice3A_297[0] : f32 from vector<1xf32>
      %mul3A_299 = vector.broadcast %squeeze3A_298 : f32 to vector<16xf32>
      %mul3A_300 = arith.mulf %gather3A_285, %mul3A_299 : vector<16xf32>
      %add3A_301 = arith.addf %add3A_255, %mul3A_300 : vector<16xf32>
      %mul3A_302 = vector.broadcast %squeeze3A_298 : f32 to vector<16xf32>
      %mul3A_303 = arith.mulf %gather3A_286, %mul3A_302 : vector<16xf32>
      %add3A_304 = arith.addf %add3A_258, %mul3A_303 : vector<16xf32>
      %mul3A_305 = vector.broadcast %squeeze3A_298 : f32 to vector<16xf32>
      %mul3A_306 = arith.mulf %gather3A_287, %mul3A_305 : vector<16xf32>
      %add3A_307 = arith.addf %add3A_261, %mul3A_306 : vector<16xf32>
      %gather3A_308 = tpu.vector_load_idx %arg7[%iota3A, %add3A_290] : memref<16x1536xf32, #tpu.memory_space<vmem>>[vector<16xi32>, vector<16xi32>], vector<16xf32>,
      %gather3A_309 = tpu.vector_load_idx %arg7[%iota3A, %add3A_293] : memref<16x1536xf32, #tpu.memory_space<vmem>>[vector<16xi32>, vector<16xi32>], vector<16xf32>,
      %gather3A_310 = tpu.vector_load_idx %arg7[%iota3A, %add3A_296] : memref<16x1536xf32, #tpu.memory_space<vmem>>[vector<16xi32>, vector<16xi32>], vector<16xf32>,
      %add3A_311 = arith.constant 3 : i32
      %add3A_312 = vector.broadcast %add3A_311 : i32 to vector<16xi32>
      %add3A_313 = arith.addi %add3A_290, %add3A_312 : vector<16xi32>
      %add3A_314 = arith.constant 3 : i32
      %add3A_315 = vector.broadcast %add3A_314 : i32 to vector<16xi32>
      %add3A_316 = arith.addi %add3A_293, %add3A_315 : vector<16xi32>
      %add3A_317 = arith.constant 3 : i32
      %add3A_318 = vector.broadcast %add3A_317 : i32 to vector<16xi32>
      %add3A_319 = arith.addi %add3A_296, %add3A_318 : vector<16xi32>
      %slice3A_320 = vector.extract_strided_slice %get3A_240 {offsets = [3], sizes = [1], strides = [1]} : vector<16xf32> to vector<1xf32>
      %squeeze3A_321 = vector.extract %slice3A_320[0] : f32 from vector<1xf32>
      %mul3A_322 = vector.broadcast %squeeze3A_321 : f32 to vector<16xf32>
      %mul3A_323 = arith.mulf %gather3A_308, %mul3A_322 : vector<16xf32>
      %add3A_324 = arith.addf %add3A_278, %mul3A_323 : vector<16xf32>
      %mul3A_325 = vector.broadcast %squeeze3A_321 : f32 to vector<16xf32>
      %mul3A_326 = arith.mulf %gather3A_309, %mul3A_325 : vector<16xf32>
      %add3A_327 = arith.addf %add3A_281, %mul3A_326 : vector<16xf32>
      %mul3A_328 = vector.broadcast %squeeze3A_321 : f32 to vector<16xf32>
      %mul3A_329 = arith.mulf %gather3A_310, %mul3A_328 : vector<16xf32>
      %add3A_330 = arith.addf %add3A_284, %mul3A_329 : vector<16xf32>
      %gather3A_331 = tpu.vector_load_idx %arg7[%iota3A, %add3A_313] : memref<16x1536xf32, #tpu.memory_space<vmem>>[vector<16xi32>, vector<16xi32>], vector<16xf32>,
      %gather3A_332 = tpu.vector_load_idx %arg7[%iota3A, %add3A_316] : memref<16x1536xf32, #tpu.memory_space<vmem>>[vector<16xi32>, vector<16xi32>], vector<16xf32>,
      %gather3A_333 = tpu.vector_load_idx %arg7[%iota3A, %add3A_319] : memref<16x1536xf32, #tpu.memory_space<vmem>>[vector<16xi32>, vector<16xi32>], vector<16xf32>,
      %add3A_334 = arith.constant 3 : i32
      %add3A_335 = vector.broadcast %add3A_334 : i32 to vector<16xi32>
      %add3A_336 = arith.addi %add3A_313, %add3A_335 : vector<16xi32>
      %add3A_337 = arith.constant 3 : i32
      %add3A_338 = vector.broadcast %add3A_337 : i32 to vector<16xi32>
      %add3A_339 = arith.addi %add3A_316, %add3A_338 : vector<16xi32>
      %add3A_340 = arith.constant 3 : i32
      %add3A_341 = vector.broadcast %add3A_340 : i32 to vector<16xi32>
      %add3A_342 = arith.addi %add3A_319, %add3A_341 : vector<16xi32>
      %slice3A_343 = vector.extract_strided_slice %get3A_240 {offsets = [4], sizes = [1], strides = [1]} : vector<16xf32> to vector<1xf32>
      %squeeze3A_344 = vector.extract %slice3A_343[0] : f32 from vector<1xf32>
      %mul3A_345 = vector.broadcast %squeeze3A_344 : f32 to vector<16xf32>
      %mul3A_346 = arith.mulf %gather3A_331, %mul3A_345 : vector<16xf32>
      %add3A_347 = arith.addf %add3A_301, %mul3A_346 : vector<16xf32>
      %mul3A_348 = vector.broadcast %squeeze3A_344 : f32 to vector<16xf32>
      %mul3A_349 = arith.mulf %gather3A_332, %mul3A_348 : vector<16xf32>
      %add3A_350 = arith.addf %add3A_304, %mul3A_349 : vector<16xf32>
      %mul3A_351 = vector.broadcast %squeeze3A_344 : f32 to vector<16xf32>
      %mul3A_352 = arith.mulf %gather3A_333, %mul3A_351 : vector<16xf32>
      %add3A_353 = arith.addf %add3A_307, %mul3A_352 : vector<16xf32>
      %gather3A_354 = tpu.vector_load_idx %arg7[%iota3A, %add3A_336] : memref<16x1536xf32, #tpu.memory_space<vmem>>[vector<16xi32>, vector<16xi32>], vector<16xf32>,
      %gather3A_355 = tpu.vector_load_idx %arg7[%iota3A, %add3A_339] : memref<16x1536xf32, #tpu.memory_space<vmem>>[vector<16xi32>, vector<16xi32>], vector<16xf32>,
      %gather3A_356 = tpu.vector_load_idx %arg7[%iota3A, %add3A_342] : memref<16x1536xf32, #tpu.memory_space<vmem>>[vector<16xi32>, vector<16xi32>], vector<16xf32>,
      %add3A_357 = arith.constant 3 : i32
      %add3A_358 = vector.broadcast %add3A_357 : i32 to vector<16xi32>
      %add3A_359 = arith.addi %add3A_336, %add3A_358 : vector<16xi32>
      %add3A_360 = arith.constant 3 : i32
      %add3A_361 = vector.broadcast %add3A_360 : i32 to vector<16xi32>
      %add3A_362 = arith.addi %add3A_339, %add3A_361 : vector<16xi32>
      %add3A_363 = arith.constant 3 : i32
      %add3A_364 = vector.broadcast %add3A_363 : i32 to vector<16xi32>
      %add3A_365 = arith.addi %add3A_342, %add3A_364 : vector<16xi32>
      %slice3A_366 = vector.extract_strided_slice %get3A_240 {offsets = [5], sizes = [1], strides = [1]} : vector<16xf32> to vector<1xf32>
      %squeeze3A_367 = vector.extract %slice3A_366[0] : f32 from vector<1xf32>
      %mul3A_368 = vector.broadcast %squeeze3A_367 : f32 to vector<16xf32>
      %mul3A_369 = arith.mulf %gather3A_354, %mul3A_368 : vector<16xf32>
      %add3A_370 = arith.addf %add3A_324, %mul3A_369 : vector<16xf32>
      %mul3A_371 = vector.broadcast %squeeze3A_367 : f32 to vector<16xf32>
      %mul3A_372 = arith.mulf %gather3A_355, %mul3A_371 : vector<16xf32>
      %add3A_373 = arith.addf %add3A_327, %mul3A_372 : vector<16xf32>
      %mul3A_374 = vector.broadcast %squeeze3A_367 : f32 to vector<16xf32>
      %mul3A_375 = arith.mulf %gather3A_356, %mul3A_374 : vector<16xf32>
      %add3A_376 = arith.addf %add3A_330, %mul3A_375 : vector<16xf32>
      %gather3A_377 = tpu.vector_load_idx %arg7[%iota3A, %add3A_359] : memref<16x1536xf32, #tpu.memory_space<vmem>>[vector<16xi32>, vector<16xi32>], vector<16xf32>,
      %gather3A_378 = tpu.vector_load_idx %arg7[%iota3A, %add3A_362] : memref<16x1536xf32, #tpu.memory_space<vmem>>[vector<16xi32>, vector<16xi32>], vector<16xf32>,
      %gather3A_379 = tpu.vector_load_idx %arg7[%iota3A, %add3A_365] : memref<16x1536xf32, #tpu.memory_space<vmem>>[vector<16xi32>, vector<16xi32>], vector<16xf32>,
      %add3A_380 = arith.constant 3 : i32
      %add3A_381 = vector.broadcast %add3A_380 : i32 to vector<16xi32>
      %add3A_382 = arith.addi %add3A_359, %add3A_381 : vector<16xi32>
      %add3A_383 = arith.constant 3 : i32
      %add3A_384 = vector.broadcast %add3A_383 : i32 to vector<16xi32>
      %add3A_385 = arith.addi %add3A_362, %add3A_384 : vector<16xi32>
      %add3A_386 = arith.constant 3 : i32
      %add3A_387 = vector.broadcast %add3A_386 : i32 to vector<16xi32>
      %add3A_388 = arith.addi %add3A_365, %add3A_387 : vector<16xi32>
      %slice3A_389 = vector.extract_strided_slice %get3A_240 {offsets = [6], sizes = [1], strides = [1]} : vector<16xf32> to vector<1xf32>
      %squeeze3A_390 = vector.extract %slice3A_389[0] : f32 from vector<1xf32>
      %mul3A_391 = vector.broadcast %squeeze3A_390 : f32 to vector<16xf32>
      %mul3A_392 = arith.mulf %gather3A_377, %mul3A_391 : vector<16xf32>
      %add3A_393 = arith.addf %add3A_347, %mul3A_392 : vector<16xf32>
      %mul3A_394 = vector.broadcast %squeeze3A_390 : f32 to vector<16xf32>
      %mul3A_395 = arith.mulf %gather3A_378, %mul3A_394 : vector<16xf32>
      %add3A_396 = arith.addf %add3A_350, %mul3A_395 : vector<16xf32>
      %mul3A_397 = vector.broadcast %squeeze3A_390 : f32 to vector<16xf32>
      %mul3A_398 = arith.mulf %gather3A_379, %mul3A_397 : vector<16xf32>
      %add3A_399 = arith.addf %add3A_353, %mul3A_398 : vector<16xf32>
      %gather3A_400 = tpu.vector_load_idx %arg7[%iota3A, %add3A_382] : memref<16x1536xf32, #tpu.memory_space<vmem>>[vector<16xi32>, vector<16xi32>], vector<16xf32>,
      %gather3A_401 = tpu.vector_load_idx %arg7[%iota3A, %add3A_385] : memref<16x1536xf32, #tpu.memory_space<vmem>>[vector<16xi32>, vector<16xi32>], vector<16xf32>,
      %gather3A_402 = tpu.vector_load_idx %arg7[%iota3A, %add3A_388] : memref<16x1536xf32, #tpu.memory_space<vmem>>[vector<16xi32>, vector<16xi32>], vector<16xf32>,
      %add3A_403 = arith.constant 3 : i32
      %add3A_404 = vector.broadcast %add3A_403 : i32 to vector<16xi32>
      %add3A_405 = arith.addi %add3A_382, %add3A_404 : vector<16xi32>
      %add3A_406 = arith.constant 3 : i32
      %add3A_407 = vector.broadcast %add3A_406 : i32 to vector<16xi32>
      %add3A_408 = arith.addi %add3A_385, %add3A_407 : vector<16xi32>
      %add3A_409 = arith.constant 3 : i32
      %add3A_410 = vector.broadcast %add3A_409 : i32 to vector<16xi32>
      %add3A_411 = arith.addi %add3A_388, %add3A_410 : vector<16xi32>
      %slice3A_412 = vector.extract_strided_slice %get3A_240 {offsets = [7], sizes = [1], strides = [1]} : vector<16xf32> to vector<1xf32>
      %squeeze3A_413 = vector.extract %slice3A_412[0] : f32 from vector<1xf32>
      %mul3A_414 = vector.broadcast %squeeze3A_413 : f32 to vector<16xf32>
      %mul3A_415 = arith.mulf %gather3A_400, %mul3A_414 : vector<16xf32>
      %add3A_416 = arith.addf %add3A_370, %mul3A_415 : vector<16xf32>
      %mul3A_417 = vector.broadcast %squeeze3A_413 : f32 to vector<16xf32>
      %mul3A_418 = arith.mulf %gather3A_401, %mul3A_417 : vector<16xf32>
      %add3A_419 = arith.addf %add3A_373, %mul3A_418 : vector<16xf32>
      %mul3A_420 = vector.broadcast %squeeze3A_413 : f32 to vector<16xf32>
      %mul3A_421 = arith.mulf %gather3A_402, %mul3A_420 : vector<16xf32>
      %add3A_422 = arith.addf %add3A_376, %mul3A_421 : vector<16xf32>
      %gather3A_423 = tpu.vector_load_idx %arg7[%iota3A, %add3A_405] : memref<16x1536xf32, #tpu.memory_space<vmem>>[vector<16xi32>, vector<16xi32>], vector<16xf32>,
      %gather3A_424 = tpu.vector_load_idx %arg7[%iota3A, %add3A_408] : memref<16x1536xf32, #tpu.memory_space<vmem>>[vector<16xi32>, vector<16xi32>], vector<16xf32>,
      %gather3A_425 = tpu.vector_load_idx %arg7[%iota3A, %add3A_411] : memref<16x1536xf32, #tpu.memory_space<vmem>>[vector<16xi32>, vector<16xi32>], vector<16xf32>,
      %add3A_426 = arith.constant 3 : i32
      %add3A_427 = vector.broadcast %add3A_426 : i32 to vector<16xi32>
      %add3A_428 = arith.addi %add3A_405, %add3A_427 : vector<16xi32>
      %add3A_429 = arith.constant 3 : i32
      %add3A_430 = vector.broadcast %add3A_429 : i32 to vector<16xi32>
      %add3A_431 = arith.addi %add3A_408, %add3A_430 : vector<16xi32>
      %add3A_432 = arith.constant 3 : i32
      %add3A_433 = vector.broadcast %add3A_432 : i32 to vector<16xi32>
      %add3A_434 = arith.addi %add3A_411, %add3A_433 : vector<16xi32>
      %slice3A_435 = vector.extract_strided_slice %get3A_240 {offsets = [8], sizes = [1], strides = [1]} : vector<16xf32> to vector<1xf32>
      %squeeze3A_436 = vector.extract %slice3A_435[0] : f32 from vector<1xf32>
      %mul3A_437 = vector.broadcast %squeeze3A_436 : f32 to vector<16xf32>
      %mul3A_438 = arith.mulf %gather3A_423, %mul3A_437 : vector<16xf32>
      %add3A_439 = arith.addf %add3A_393, %mul3A_438 : vector<16xf32>
      %mul3A_440 = vector.broadcast %squeeze3A_436 : f32 to vector<16xf32>
      %mul3A_441 = arith.mulf %gather3A_424, %mul3A_440 : vector<16xf32>
      %add3A_442 = arith.addf %add3A_396, %mul3A_441 : vector<16xf32>
      %mul3A_443 = vector.broadcast %squeeze3A_436 : f32 to vector<16xf32>
      %mul3A_444 = arith.mulf %gather3A_425, %mul3A_443 : vector<16xf32>
      %add3A_445 = arith.addf %add3A_399, %mul3A_444 : vector<16xf32>
      %gather3A_446 = tpu.vector_load_idx %arg7[%iota3A, %add3A_428] : memref<16x1536xf32, #tpu.memory_space<vmem>>[vector<16xi32>, vector<16xi32>], vector<16xf32>,
      %gather3A_447 = tpu.vector_load_idx %arg7[%iota3A, %add3A_431] : memref<16x1536xf32, #tpu.memory_space<vmem>>[vector<16xi32>, vector<16xi32>], vector<16xf32>,
      %gather3A_448 = tpu.vector_load_idx %arg7[%iota3A, %add3A_434] : memref<16x1536xf32, #tpu.memory_space<vmem>>[vector<16xi32>, vector<16xi32>], vector<16xf32>,
      %add3A_449 = arith.constant 3 : i32
      %add3A_450 = vector.broadcast %add3A_449 : i32 to vector<16xi32>
      %add3A_451 = arith.addi %add3A_428, %add3A_450 : vector<16xi32>
      %add3A_452 = arith.constant 3 : i32
      %add3A_453 = vector.broadcast %add3A_452 : i32 to vector<16xi32>
      %add3A_454 = arith.addi %add3A_431, %add3A_453 : vector<16xi32>
      %add3A_455 = arith.constant 3 : i32
      %add3A_456 = vector.broadcast %add3A_455 : i32 to vector<16xi32>
      %add3A_457 = arith.addi %add3A_434, %add3A_456 : vector<16xi32>
      %slice3A_458 = vector.extract_strided_slice %get3A_240 {offsets = [9], sizes = [1], strides = [1]} : vector<16xf32> to vector<1xf32>
      %squeeze3A_459 = vector.extract %slice3A_458[0] : f32 from vector<1xf32>
      %mul3A_460 = vector.broadcast %squeeze3A_459 : f32 to vector<16xf32>
      %mul3A_461 = arith.mulf %gather3A_446, %mul3A_460 : vector<16xf32>
      %add3A_462 = arith.addf %add3A_416, %mul3A_461 : vector<16xf32>
      %mul3A_463 = vector.broadcast %squeeze3A_459 : f32 to vector<16xf32>
      %mul3A_464 = arith.mulf %gather3A_447, %mul3A_463 : vector<16xf32>
      %add3A_465 = arith.addf %add3A_419, %mul3A_464 : vector<16xf32>
      %mul3A_466 = vector.broadcast %squeeze3A_459 : f32 to vector<16xf32>
      %mul3A_467 = arith.mulf %gather3A_448, %mul3A_466 : vector<16xf32>
      %add3A_468 = arith.addf %add3A_422, %mul3A_467 : vector<16xf32>
      %gather3A_469 = tpu.vector_load_idx %arg7[%iota3A, %add3A_451] : memref<16x1536xf32, #tpu.memory_space<vmem>>[vector<16xi32>, vector<16xi32>], vector<16xf32>,
      %gather3A_470 = tpu.vector_load_idx %arg7[%iota3A, %add3A_454] : memref<16x1536xf32, #tpu.memory_space<vmem>>[vector<16xi32>, vector<16xi32>], vector<16xf32>,
      %gather3A_471 = tpu.vector_load_idx %arg7[%iota3A, %add3A_457] : memref<16x1536xf32, #tpu.memory_space<vmem>>[vector<16xi32>, vector<16xi32>], vector<16xf32>,
      %add3A_472 = arith.constant 3 : i32
      %add3A_473 = vector.broadcast %add3A_472 : i32 to vector<16xi32>
      %add3A_474 = arith.addi %add3A_451, %add3A_473 : vector<16xi32>
      %add3A_475 = arith.constant 3 : i32
      %add3A_476 = vector.broadcast %add3A_475 : i32 to vector<16xi32>
      %add3A_477 = arith.addi %add3A_454, %add3A_476 : vector<16xi32>
      %add3A_478 = arith.constant 3 : i32
      %add3A_479 = vector.broadcast %add3A_478 : i32 to vector<16xi32>
      %add3A_480 = arith.addi %add3A_457, %add3A_479 : vector<16xi32>
      %slice3A_481 = vector.extract_strided_slice %get3A_240 {offsets = [10], sizes = [1], strides = [1]} : vector<16xf32> to vector<1xf32>
      %squeeze3A_482 = vector.extract %slice3A_481[0] : f32 from vector<1xf32>
      %mul3A_483 = vector.broadcast %squeeze3A_482 : f32 to vector<16xf32>
      %mul3A_484 = arith.mulf %gather3A_469, %mul3A_483 : vector<16xf32>
      %add3A_485 = arith.addf %add3A_439, %mul3A_484 : vector<16xf32>
      %mul3A_486 = vector.broadcast %squeeze3A_482 : f32 to vector<16xf32>
      %mul3A_487 = arith.mulf %gather3A_470, %mul3A_486 : vector<16xf32>
      %add3A_488 = arith.addf %add3A_442, %mul3A_487 : vector<16xf32>
      %mul3A_489 = vector.broadcast %squeeze3A_482 : f32 to vector<16xf32>
      %mul3A_490 = arith.mulf %gather3A_471, %mul3A_489 : vector<16xf32>
      %add3A_491 = arith.addf %add3A_445, %mul3A_490 : vector<16xf32>
      %gather3A_492 = tpu.vector_load_idx %arg7[%iota3A, %add3A_474] : memref<16x1536xf32, #tpu.memory_space<vmem>>[vector<16xi32>, vector<16xi32>], vector<16xf32>,
      %gather3A_493 = tpu.vector_load_idx %arg7[%iota3A, %add3A_477] : memref<16x1536xf32, #tpu.memory_space<vmem>>[vector<16xi32>, vector<16xi32>], vector<16xf32>,
      %gather3A_494 = tpu.vector_load_idx %arg7[%iota3A, %add3A_480] : memref<16x1536xf32, #tpu.memory_space<vmem>>[vector<16xi32>, vector<16xi32>], vector<16xf32>,
      %add3A_495 = arith.constant 3 : i32
      %add3A_496 = vector.broadcast %add3A_495 : i32 to vector<16xi32>
      %add3A_497 = arith.addi %add3A_474, %add3A_496 : vector<16xi32>
      %add3A_498 = arith.constant 3 : i32
      %add3A_499 = vector.broadcast %add3A_498 : i32 to vector<16xi32>
      %add3A_500 = arith.addi %add3A_477, %add3A_499 : vector<16xi32>
      %add3A_501 = arith.constant 3 : i32
      %add3A_502 = vector.broadcast %add3A_501 : i32 to vector<16xi32>
      %add3A_503 = arith.addi %add3A_480, %add3A_502 : vector<16xi32>
      %slice3A_504 = vector.extract_strided_slice %get3A_240 {offsets = [11], sizes = [1], strides = [1]} : vector<16xf32> to vector<1xf32>
      %squeeze3A_505 = vector.extract %slice3A_504[0] : f32 from vector<1xf32>
      %mul3A_506 = vector.broadcast %squeeze3A_505 : f32 to vector<16xf32>
      %mul3A_507 = arith.mulf %gather3A_492, %mul3A_506 : vector<16xf32>
      %add3A_508 = arith.addf %add3A_462, %mul3A_507 : vector<16xf32>
      %mul3A_509 = vector.broadcast %squeeze3A_505 : f32 to vector<16xf32>
      %mul3A_510 = arith.mulf %gather3A_493, %mul3A_509 : vector<16xf32>
      %add3A_511 = arith.addf %add3A_465, %mul3A_510 : vector<16xf32>
      %mul3A_512 = vector.broadcast %squeeze3A_505 : f32 to vector<16xf32>
      %mul3A_513 = arith.mulf %gather3A_494, %mul3A_512 : vector<16xf32>
      %add3A_514 = arith.addf %add3A_468, %mul3A_513 : vector<16xf32>
      %gather3A_515 = tpu.vector_load_idx %arg7[%iota3A, %add3A_497] : memref<16x1536xf32, #tpu.memory_space<vmem>>[vector<16xi32>, vector<16xi32>], vector<16xf32>,
      %gather3A_516 = tpu.vector_load_idx %arg7[%iota3A, %add3A_500] : memref<16x1536xf32, #tpu.memory_space<vmem>>[vector<16xi32>, vector<16xi32>], vector<16xf32>,
      %gather3A_517 = tpu.vector_load_idx %arg7[%iota3A, %add3A_503] : memref<16x1536xf32, #tpu.memory_space<vmem>>[vector<16xi32>, vector<16xi32>], vector<16xf32>,
      %add3A_518 = arith.constant 3 : i32
      %add3A_519 = vector.broadcast %add3A_518 : i32 to vector<16xi32>
      %add3A_520 = arith.addi %add3A_497, %add3A_519 : vector<16xi32>
      %add3A_521 = arith.constant 3 : i32
      %add3A_522 = vector.broadcast %add3A_521 : i32 to vector<16xi32>
      %add3A_523 = arith.addi %add3A_500, %add3A_522 : vector<16xi32>
      %add3A_524 = arith.constant 3 : i32
      %add3A_525 = vector.broadcast %add3A_524 : i32 to vector<16xi32>
      %add3A_526 = arith.addi %add3A_503, %add3A_525 : vector<16xi32>
      %slice3A_527 = vector.extract_strided_slice %get3A_240 {offsets = [12], sizes = [1], strides = [1]} : vector<16xf32> to vector<1xf32>
      %squeeze3A_528 = vector.extract %slice3A_527[0] : f32 from vector<1xf32>
      %mul3A_529 = vector.broadcast %squeeze3A_528 : f32 to vector<16xf32>
      %mul3A_530 = arith.mulf %gather3A_515, %mul3A_529 : vector<16xf32>
      %add3A_531 = arith.addf %add3A_485, %mul3A_530 : vector<16xf32>
      %mul3A_532 = vector.broadcast %squeeze3A_528 : f32 to vector<16xf32>
      %mul3A_533 = arith.mulf %gather3A_516, %mul3A_532 : vector<16xf32>
      %add3A_534 = arith.addf %add3A_488, %mul3A_533 : vector<16xf32>
      %mul3A_535 = vector.broadcast %squeeze3A_528 : f32 to vector<16xf32>
      %mul3A_536 = arith.mulf %gather3A_517, %mul3A_535 : vector<16xf32>
      %add3A_537 = arith.addf %add3A_491, %mul3A_536 : vector<16xf32>
      %gather3A_538 = tpu.vector_load_idx %arg7[%iota3A, %add3A_520] : memref<16x1536xf32, #tpu.memory_space<vmem>>[vector<16xi32>, vector<16xi32>], vector<16xf32>,
      %gather3A_539 = tpu.vector_load_idx %arg7[%iota3A, %add3A_523] : memref<16x1536xf32, #tpu.memory_space<vmem>>[vector<16xi32>, vector<16xi32>], vector<16xf32>,
      %gather3A_540 = tpu.vector_load_idx %arg7[%iota3A, %add3A_526] : memref<16x1536xf32, #tpu.memory_space<vmem>>[vector<16xi32>, vector<16xi32>], vector<16xf32>,
      %add3A_541 = arith.constant 3 : i32
      %add3A_542 = vector.broadcast %add3A_541 : i32 to vector<16xi32>
      %add3A_543 = arith.addi %add3A_520, %add3A_542 : vector<16xi32>
      %add3A_544 = arith.constant 3 : i32
      %add3A_545 = vector.broadcast %add3A_544 : i32 to vector<16xi32>
      %add3A_546 = arith.addi %add3A_523, %add3A_545 : vector<16xi32>
      %add3A_547 = arith.constant 3 : i32
      %add3A_548 = vector.broadcast %add3A_547 : i32 to vector<16xi32>
      %add3A_549 = arith.addi %add3A_526, %add3A_548 : vector<16xi32>
      %slice3A_550 = vector.extract_strided_slice %get3A_240 {offsets = [13], sizes = [1], strides = [1]} : vector<16xf32> to vector<1xf32>
      %squeeze3A_551 = vector.extract %slice3A_550[0] : f32 from vector<1xf32>
      %mul3A_552 = vector.broadcast %squeeze3A_551 : f32 to vector<16xf32>
      %mul3A_553 = arith.mulf %gather3A_538, %mul3A_552 : vector<16xf32>
      %add3A_554 = arith.addf %add3A_508, %mul3A_553 : vector<16xf32>
      %mul3A_555 = vector.broadcast %squeeze3A_551 : f32 to vector<16xf32>
      %mul3A_556 = arith.mulf %gather3A_539, %mul3A_555 : vector<16xf32>
      %add3A_557 = arith.addf %add3A_511, %mul3A_556 : vector<16xf32>
      %mul3A_558 = vector.broadcast %squeeze3A_551 : f32 to vector<16xf32>
      %mul3A_559 = arith.mulf %gather3A_540, %mul3A_558 : vector<16xf32>
      %add3A_560 = arith.addf %add3A_514, %mul3A_559 : vector<16xf32>
      %gather3A_561 = tpu.vector_load_idx %arg7[%iota3A, %add3A_543] : memref<16x1536xf32, #tpu.memory_space<vmem>>[vector<16xi32>, vector<16xi32>], vector<16xf32>,
      %gather3A_562 = tpu.vector_load_idx %arg7[%iota3A, %add3A_546] : memref<16x1536xf32, #tpu.memory_space<vmem>>[vector<16xi32>, vector<16xi32>], vector<16xf32>,
      %gather3A_563 = tpu.vector_load_idx %arg7[%iota3A, %add3A_549] : memref<16x1536xf32, #tpu.memory_space<vmem>>[vector<16xi32>, vector<16xi32>], vector<16xf32>,
      %add3A_564 = arith.constant 3 : i32
      %add3A_565 = vector.broadcast %add3A_564 : i32 to vector<16xi32>
      %add3A_566 = arith.addi %add3A_543, %add3A_565 : vector<16xi32>
      %add3A_567 = arith.constant 3 : i32
      %add3A_568 = vector.broadcast %add3A_567 : i32 to vector<16xi32>
      %add3A_569 = arith.addi %add3A_546, %add3A_568 : vector<16xi32>
      %add3A_570 = arith.constant 3 : i32
      %add3A_571 = vector.broadcast %add3A_570 : i32 to vector<16xi32>
      %add3A_572 = arith.addi %add3A_549, %add3A_571 : vector<16xi32>
      %slice3A_573 = vector.extract_strided_slice %get3A_240 {offsets = [14], sizes = [1], strides = [1]} : vector<16xf32> to vector<1xf32>
      %squeeze3A_574 = vector.extract %slice3A_573[0] : f32 from vector<1xf32>
      %mul3A_575 = vector.broadcast %squeeze3A_574 : f32 to vector<16xf32>
      %mul3A_576 = arith.mulf %gather3A_561, %mul3A_575 : vector<16xf32>
      %add3A_577 = arith.addf %add3A_531, %mul3A_576 : vector<16xf32>
      %mul3A_578 = vector.broadcast %squeeze3A_574 : f32 to vector<16xf32>
      %mul3A_579 = arith.mulf %gather3A_562, %mul3A_578 : vector<16xf32>
      %add3A_580 = arith.addf %add3A_534, %mul3A_579 : vector<16xf32>
      %mul3A_581 = vector.broadcast %squeeze3A_574 : f32 to vector<16xf32>
      %mul3A_582 = arith.mulf %gather3A_563, %mul3A_581 : vector<16xf32>
      %add3A_583 = arith.addf %add3A_537, %mul3A_582 : vector<16xf32>
      %gather3A_584 = tpu.vector_load_idx %arg7[%iota3A, %add3A_566] : memref<16x1536xf32, #tpu.memory_space<vmem>>[vector<16xi32>, vector<16xi32>], vector<16xf32>,
      %gather3A_585 = tpu.vector_load_idx %arg7[%iota3A, %add3A_569] : memref<16x1536xf32, #tpu.memory_space<vmem>>[vector<16xi32>, vector<16xi32>], vector<16xf32>,
      %gather3A_586 = tpu.vector_load_idx %arg7[%iota3A, %add3A_572] : memref<16x1536xf32, #tpu.memory_space<vmem>>[vector<16xi32>, vector<16xi32>], vector<16xf32>,
      %add3A_587 = arith.constant 3 : i32
      %add3A_588 = vector.broadcast %add3A_587 : i32 to vector<16xi32>
      %add3A_589 = arith.addi %add3A_566, %add3A_588 : vector<16xi32>
      %add3A_590 = arith.constant 3 : i32
      %add3A_591 = vector.broadcast %add3A_590 : i32 to vector<16xi32>
      %add3A_592 = arith.addi %add3A_569, %add3A_591 : vector<16xi32>
      %add3A_593 = arith.constant 3 : i32
      %add3A_594 = vector.broadcast %add3A_593 : i32 to vector<16xi32>
      %add3A_595 = arith.addi %add3A_572, %add3A_594 : vector<16xi32>
      %slice3A_596 = vector.extract_strided_slice %get3A_240 {offsets = [15], sizes = [1], strides = [1]} : vector<16xf32> to vector<1xf32>
      %squeeze3A_597 = vector.extract %slice3A_596[0] : f32 from vector<1xf32>
      %mul3A_598 = vector.broadcast %squeeze3A_597 : f32 to vector<16xf32>
      %mul3A_599 = arith.mulf %gather3A_584, %mul3A_598 : vector<16xf32>
      %add3A_600 = arith.addf %add3A_554, %mul3A_599 : vector<16xf32>
      %mul3A_601 = vector.broadcast %squeeze3A_597 : f32 to vector<16xf32>
      %mul3A_602 = arith.mulf %gather3A_585, %mul3A_601 : vector<16xf32>
      %add3A_603 = arith.addf %add3A_557, %mul3A_602 : vector<16xf32>
      %mul3A_604 = vector.broadcast %squeeze3A_597 : f32 to vector<16xf32>
      %mul3A_605 = arith.mulf %gather3A_586, %mul3A_604 : vector<16xf32>
      %add3A_606 = arith.addf %add3A_560, %mul3A_605 : vector<16xf32>
      scf.yield %add3A_577, %add3A_580, %add3A_583, %add3A_600, %add3A_603, %add3A_606, %add3A_589, %add3A_592, %add3A_595 : vector<16xf32>, vector<16xf32>, vector<16xf32>, vector<16xf32>, vector<16xf32>, vector<16xf32>, vector<16xi32>, vector<16xi32>, vector<16xi32>
    }
    %scan3A_102 = arith.constant 32 : i32
    %add3A_103 = arith.addf %scan3A_101#0, %scan3A_101#3 : vector<16xf32>
    %add3A_104 = arith.addf %scan3A_101#1, %scan3A_101#4 : vector<16xf32>
    %add3A_105 = arith.addf %scan3A_101#2, %scan3A_101#5 : vector<16xf32>
    %mul3A_106 = arith.mulf %add3A_103, %add3A_103 : vector<16xf32>
    %add3A_107 = arith.addf %add3A_88, %mul3A_106 : vector<16xf32>
    %mul3A_108 = arith.mulf %add3A_104, %add3A_104 : vector<16xf32>
    %add3A_109 = arith.addf %add3A_107, %mul3A_108 : vector<16xf32>
    %mul3A_110 = arith.mulf %add3A_105, %add3A_105 : vector<16xf32>
    %add3A_111 = arith.addf %add3A_109, %mul3A_110 : vector<16xf32>
    %swap3A = arith.constant 0 : index
    %swap3A_112 = tpu.vector_load %arg9[%swap3A] {strides = array<i32>} : memref<16xf32, #tpu.memory_space<vmem>>, vector<16xf32>,
    tpu.vector_store %arg9[%swap3A], %add3A_111 {strides = array<i32>} : memref<16xf32, #tpu.memory_space<vmem>>, vector<16xf32>,
    %add3A_113 = arith.constant 8 : i32
    %add3A_114 = vector.broadcast %add3A_113 : i32 to vector<16xi32>
    %add3A_115 = arith.addi %iota3A, %add3A_114 : vector<16xi32>
    %jit3A_116 = arith.constant 16 : i32
    %eq3A_117 = arith.constant 0 : i32
    %eq3A_118 = arith.cmpi eq, %jit3A_116, %eq3A_117 : i32
    %jit3A_119 = arith.constant 1 : i32
    %select_n3A_120 = arith.select %eq3A_118, %jit3A_119, %jit3A_116 : i32
    %rem3A_121 = vector.broadcast %select_n3A_120 : i32 to vector<16xi32>
    %rem3A_122 = arith.remsi %add3A_115, %rem3A_121 : vector<16xi32>
    %ne3A_123 = arith.constant 0 : i32
    %ne3A_124 = vector.broadcast %ne3A_123 : i32 to vector<16xi32>
    %ne3A_125 = arith.cmpi ne, %rem3A_122, %ne3A_124 : vector<16xi32>
    %lt3A_126 = arith.constant 0 : i32
    %lt3A_127 = vector.broadcast %lt3A_126 : i32 to vector<16xi32>
    %lt3A_128 = arith.cmpi slt, %rem3A_122, %lt3A_127 : vector<16xi32>
    %lt3A_129 = arith.constant 0 : i32
    %lt3A_130 = arith.cmpi slt, %select_n3A_120, %lt3A_129 : i32
    %ne3A_131 = vector.broadcast %lt3A_130 : i1 to vector<16xi1>
    %ne3A_132 = vector.broadcast %ne3A_131 : vector<16xi1> to vector<16xi1>
    %ne3A_133 = arith.xori %lt3A_128, %ne3A_132 : vector<16xi1>
    %and3A_134 = arith.andi %ne3A_133, %ne3A_125 : vector<16xi1>
    %add3A_135 = vector.broadcast %select_n3A_120 : i32 to vector<16xi32>
    %add3A_136 = arith.addi %rem3A_122, %add3A_135 : vector<16xi32>
    %select_n3A_137 = arith.select %and3A_134, %add3A_136, %rem3A_122 : vector<16xi1>, vector<16xi32>
    %gather3A = tpu.vector_load_idx %arg9[%select_n3A_137] : memref<16xf32, #tpu.memory_space<vmem>>[vector<16xi32>], vector<16xf32>,
    %add3A_138 = arith.addf %add3A_111, %gather3A : vector<16xf32>
    %swap3A_139 = arith.constant 0 : index
    %swap3A_140 = tpu.vector_load %arg9[%swap3A_139] {strides = array<i32>} : memref<16xf32, #tpu.memory_space<vmem>>, vector<16xf32>,
    tpu.vector_store %arg9[%swap3A_139], %add3A_138 {strides = array<i32>} : memref<16xf32, #tpu.memory_space<vmem>>, vector<16xf32>,
    %add3A_141 = arith.constant 4 : i32
    %add3A_142 = vector.broadcast %add3A_141 : i32 to vector<16xi32>
    %add3A_143 = arith.addi %iota3A, %add3A_142 : vector<16xi32>
    %jit3A_144 = arith.constant 16 : i32
    %eq3A_145 = arith.constant 0 : i32
    %eq3A_146 = arith.cmpi eq, %jit3A_144, %eq3A_145 : i32
    %jit3A_147 = arith.constant 1 : i32
    %select_n3A_148 = arith.select %eq3A_146, %jit3A_147, %jit3A_144 : i32
    %rem3A_149 = vector.broadcast %select_n3A_148 : i32 to vector<16xi32>
    %rem3A_150 = arith.remsi %add3A_143, %rem3A_149 : vector<16xi32>
    %ne3A_151 = arith.constant 0 : i32
    %ne3A_152 = vector.broadcast %ne3A_151 : i32 to vector<16xi32>
    %ne3A_153 = arith.cmpi ne, %rem3A_150, %ne3A_152 : vector<16xi32>
    %lt3A_154 = arith.constant 0 : i32
    %lt3A_155 = vector.broadcast %lt3A_154 : i32 to vector<16xi32>
    %lt3A_156 = arith.cmpi slt, %rem3A_150, %lt3A_155 : vector<16xi32>
    %lt3A_157 = arith.constant 0 : i32
    %lt3A_158 = arith.cmpi slt, %select_n3A_148, %lt3A_157 : i32
    %ne3A_159 = vector.broadcast %lt3A_158 : i1 to vector<16xi1>
    %ne3A_160 = vector.broadcast %ne3A_159 : vector<16xi1> to vector<16xi1>
    %ne3A_161 = arith.xori %lt3A_156, %ne3A_160 : vector<16xi1>
    %and3A_162 = arith.andi %ne3A_161, %ne3A_153 : vector<16xi1>
    %add3A_163 = vector.broadcast %select_n3A_148 : i32 to vector<16xi32>
    %add3A_164 = arith.addi %rem3A_150, %add3A_163 : vector<16xi32>
    %select_n3A_165 = arith.select %and3A_162, %add3A_164, %rem3A_150 : vector<16xi1>, vector<16xi32>
    %gather3A_166 = tpu.vector_load_idx %arg9[%select_n3A_165] : memref<16xf32, #tpu.memory_space<vmem>>[vector<16xi32>], vector<16xf32>,
    %add3A_167 = arith.addf %add3A_138, %gather3A_166 : vector<16xf32>
    %swap3A_168 = arith.constant 0 : index
    %swap3A_169 = tpu.vector_load %arg9[%swap3A_168] {strides = array<i32>} : memref<16xf32, #tpu.memory_space<vmem>>, vector<16xf32>,
    tpu.vector_store %arg9[%swap3A_168], %add3A_167 {strides = array<i32>} : memref<16xf32, #tpu.memory_space<vmem>>, vector<16xf32>,
    %add3A_170 = arith.constant 2 : i32
    %add3A_171 = vector.broadcast %add3A_170 : i32 to vector<16xi32>
    %add3A_172 = arith.addi %iota3A, %add3A_171 : vector<16xi32>
    %jit3A_173 = arith.constant 16 : i32
    %eq3A_174 = arith.constant 0 : i32
    %eq3A_175 = arith.cmpi eq, %jit3A_173, %eq3A_174 : i32
    %jit3A_176 = arith.constant 1 : i32
    %select_n3A_177 = arith.select %eq3A_175, %jit3A_176, %jit3A_173 : i32
    %rem3A_178 = vector.broadcast %select_n3A_177 : i32 to vector<16xi32>
    %rem3A_179 = arith.remsi %add3A_172, %rem3A_178 : vector<16xi32>
    %ne3A_180 = arith.constant 0 : i32
    %ne3A_181 = vector.broadcast %ne3A_180 : i32 to vector<16xi32>
    %ne3A_182 = arith.cmpi ne, %rem3A_179, %ne3A_181 : vector<16xi32>
    %lt3A_183 = arith.constant 0 : i32
    %lt3A_184 = vector.broadcast %lt3A_183 : i32 to vector<16xi32>
    %lt3A_185 = arith.cmpi slt, %rem3A_179, %lt3A_184 : vector<16xi32>
    %lt3A_186 = arith.constant 0 : i32
    %lt3A_187 = arith.cmpi slt, %select_n3A_177, %lt3A_186 : i32
    %ne3A_188 = vector.broadcast %lt3A_187 : i1 to vector<16xi1>
    %ne3A_189 = vector.broadcast %ne3A_188 : vector<16xi1> to vector<16xi1>
    %ne3A_190 = arith.xori %lt3A_185, %ne3A_189 : vector<16xi1>
    %and3A_191 = arith.andi %ne3A_190, %ne3A_182 : vector<16xi1>
    %add3A_192 = vector.broadcast %select_n3A_177 : i32 to vector<16xi32>
    %add3A_193 = arith.addi %rem3A_179, %add3A_192 : vector<16xi32>
    %select_n3A_194 = arith.select %and3A_191, %add3A_193, %rem3A_179 : vector<16xi1>, vector<16xi32>
    %gather3A_195 = tpu.vector_load_idx %arg9[%select_n3A_194] : memref<16xf32, #tpu.memory_space<vmem>>[vector<16xi32>], vector<16xf32>,
    %add3A_196 = arith.addf %add3A_167, %gather3A_195 : vector<16xf32>
    %swap3A_197 = arith.constant 0 : index
    %swap3A_198 = tpu.vector_load %arg9[%swap3A_197] {strides = array<i32>} : memref<16xf32, #tpu.memory_space<vmem>>, vector<16xf32>,
    tpu.vector_store %arg9[%swap3A_197], %add3A_196 {strides = array<i32>} : memref<16xf32, #tpu.memory_space<vmem>>, vector<16xf32>,
    %add3A_199 = arith.constant 1 : i32
    %add3A_200 = vector.broadcast %add3A_199 : i32 to vector<16xi32>
    %add3A_201 = arith.addi %iota3A, %add3A_200 : vector<16xi32>
    %jit3A_202 = arith.constant 16 : i32
    %eq3A_203 = arith.constant 0 : i32
    %eq3A_204 = arith.cmpi eq, %jit3A_202, %eq3A_203 : i32
    %jit3A_205 = arith.constant 1 : i32
    %select_n3A_206 = arith.select %eq3A_204, %jit3A_205, %jit3A_202 : i32
    %rem3A_207 = vector.broadcast %select_n3A_206 : i32 to vector<16xi32>
    %rem3A_208 = arith.remsi %add3A_201, %rem3A_207 : vector<16xi32>
    %ne3A_209 = arith.constant 0 : i32
    %ne3A_210 = vector.broadcast %ne3A_209 : i32 to vector<16xi32>
    %ne3A_211 = arith.cmpi ne, %rem3A_208, %ne3A_210 : vector<16xi32>
    %lt3A_212 = arith.constant 0 : i32
    %lt3A_213 = vector.broadcast %lt3A_212 : i32 to vector<16xi32>
    %lt3A_214 = arith.cmpi slt, %rem3A_208, %lt3A_213 : vector<16xi32>
    %lt3A_215 = arith.constant 0 : i32
    %lt3A_216 = arith.cmpi slt, %select_n3A_206, %lt3A_215 : i32
    %ne3A_217 = vector.broadcast %lt3A_216 : i1 to vector<16xi1>
    %ne3A_218 = vector.broadcast %ne3A_217 : vector<16xi1> to vector<16xi1>
    %ne3A_219 = arith.xori %lt3A_214, %ne3A_218 : vector<16xi1>
    %and3A_220 = arith.andi %ne3A_219, %ne3A_211 : vector<16xi1>
    %add3A_221 = vector.broadcast %select_n3A_206 : i32 to vector<16xi32>
    %add3A_222 = arith.addi %rem3A_208, %add3A_221 : vector<16xi32>
    %select_n3A_223 = arith.select %and3A_220, %add3A_222, %rem3A_208 : vector<16xi1>, vector<16xi32>
    %gather3A_224 = tpu.vector_load_idx %arg9[%select_n3A_223] : memref<16xf32, #tpu.memory_space<vmem>>[vector<16xi32>], vector<16xf32>,
    %add3A_225 = arith.addf %add3A_196, %gather3A_224 : vector<16xf32>
    %swap3A_226 = arith.constant 0 : index
    %swap3A_227 = tpu.vector_load %arg8[%swap3A_226] {strides = array<i32>} : memref<16xf32, #tpu.memory_space<vmem>>, vector<16xf32>,
    tpu.vector_store %arg8[%swap3A_226], %add3A_225 {strides = array<i32>} : memref<16xf32, #tpu.memory_space<vmem>>, vector<16xf32>,
    "tpu.region"() ({
      %run_scoped3A = tpu.sem_alloc : memref<!tpu.dma_semaphore, #tpu.memory_space<semaphore_mem>>
      %dma_start3A_228 = arith.constant 0 : i32
      %dma_start3A_229 = tpu.memref_slice %arg4[%add3A, %dma_start3A_228] : memref<32x16xf32, #tpu.memory_space<hbm>> -> memref<1x16xf32, #tpu.memory_space<hbm>>
      %dma_start3A_230 = tpu.memref_squeeze %dma_start3A_229 : memref<1x16xf32, #tpu.memory_space<hbm>> -> memref<16xf32, #tpu.memory_space<hbm>>
      %dma_start3A_231 = arith.constant 0 : i32
      %dma_start3A_232 = tpu.memref_slice %arg4[%add3A, %dma_start3A_231] : memref<32x16xf32, #tpu.memory_space<hbm>> -> memref<1x16xf32, #tpu.memory_space<hbm>>
      %dma_start3A_233 = tpu.memref_squeeze %dma_start3A_232 : memref<1x16xf32, #tpu.memory_space<hbm>> -> memref<16xf32, #tpu.memory_space<hbm>>
      tpu.enqueue_dma source(%arg8 : memref<16xf32, #tpu.memory_space<vmem>>) target(%dma_start3A_233 : memref<16xf32, #tpu.memory_space<hbm>>) target_semaphore(%run_scoped3A : memref<!tpu.dma_semaphore, #tpu.memory_space<semaphore_mem>>)
      %dma_wait3A_234 = arith.constant 0 : i32
      %dma_wait3A_235 = tpu.memref_slice %arg4[%add3A, %dma_wait3A_234] : memref<32x16xf32, #tpu.memory_space<hbm>> -> memref<1x16xf32, #tpu.memory_space<hbm>>
      %dma_wait3A_236 = tpu.memref_squeeze %dma_wait3A_235 : memref<1x16xf32, #tpu.memory_space<hbm>> -> memref<16xf32, #tpu.memory_space<hbm>>
      %dma_wait3A_237 = arith.constant 0 : i32
      %dma_wait3A_238 = tpu.memref_slice %arg4[%add3A, %dma_wait3A_237] : memref<32x16xf32, #tpu.memory_space<hbm>> -> memref<1x16xf32, #tpu.memory_space<hbm>>
      %dma_wait3A_239 = tpu.memref_squeeze %dma_wait3A_238 : memref<1x16xf32, #tpu.memory_space<hbm>> -> memref<16xf32, #tpu.memory_space<hbm>>
      tpu.wait_dma2 semaphore(%run_scoped3A : memref<!tpu.dma_semaphore, #tpu.memory_space<semaphore_mem>>) src(%arg8 : memref<16xf32, #tpu.memory_space<vmem>>) dst(%dma_wait3A_239 : memref<16xf32, #tpu.memory_space<hbm>>)
      tpu.yield
    }) : () -> ()
    return
  }
}

module attributes {stable_mosaic.version = 14 : i64} {
  func.func @_tc_body(%arg0: i32, %arg1: memref<4x3x1536xf32, #tpu.memory_space<vmem>>, %arg2: memref<4x128x1536xf32, #tpu.memory_space<vmem>>, %arg3: memref<4x1x1xf32, #tpu.memory_space<vmem>>) attributes {dimension_semantics = [#tpu.dimension_semantics<arbitrary>], iteration_bounds = array<i64: 14>, scalar_prefetch = 0 : i64, scratch_operands = 0 : i64, tpu.core_type = #tpu.core_type<tc>, window_params = [{transform_indices = @transform_0, window_bounds = array<i64: 4, 3, 1536>}, {transform_indices = @transform_1, window_bounds = array<i64: 4, 128, 1536>}, {transform_indices = @transform_2, window_bounds = array<i64: 4, 1, 1>}]} {
    %get3A = arith.constant 0 : index
    %get3A_0 = arith.constant 0 : index
    %get3A_1 = arith.constant 0 : index
    %get3A_2 = vector.load %arg2[%get3A, %get3A_0, %get3A_1] : memref<4x128x1536xf32, #tpu.memory_space<vmem>>, vector<1x128x1536xf32>
    %get3A_3 = vector.shape_cast %get3A_2 : vector<1x128x1536xf32> to vector<128x1536xf32>
    %get3A_4 = arith.constant 0 : index
    %get3A_5 = arith.constant 0 : index
    %get3A_6 = arith.constant 0 : index
    %get3A_7 = vector.load %arg1[%get3A_4, %get3A_5, %get3A_6] : memref<4x3x1536xf32, #tpu.memory_space<vmem>>, vector<1x3x1536xf32>
    %get3A_8 = vector.shape_cast %get3A_7 : vector<1x3x1536xf32> to vector<3x1536xf32>
    %dot_general3A = arith.constant dense<0.000000e+00> : vector<128x3xf32>
    %dot_general3A_9 = tpu.matmul %get3A_3, %get3A_8, %dot_general3A {dimension_numbers = #tpu.dot_dimension_numbers<[1], [1], [0], [0], [0, 0, 1, 0], [], []>, transpose_lhs_hint = false} : vector<128x1536xf32>, vector<3x1536xf32>, vector<128x3xf32> -> vector<128x3xf32>
    %mul3A = arith.mulf %dot_general3A_9, %dot_general3A_9 : vector<128x3xf32>
    %reduce_sum3A = vector.shape_cast %mul3A : vector<128x3xf32> to vector<1x128x3xf32>
    %reduce_sum3A_10 = arith.constant dense<0.000000e+00> : vector<1xf32>
    %reduce_sum3A_11 = vector.multi_reduction <add>, %reduce_sum3A, %reduce_sum3A_10 [1, 2] : vector<1x128x3xf32> to vector<1xf32>
    %reduce_sum3A_12 = vector.shape_cast %reduce_sum3A_11 : vector<1xf32> to vector<1x1x1xf32>
    %reduce_sum3A_13 = vector.extract %reduce_sum3A_12[0, 0, 0] : f32 from vector<1x1x1xf32>
    %broadcast_in_dim3A = vector.broadcast %reduce_sum3A_13 : f32 to vector<1x1xf32>
    %get3A_14 = arith.constant 1 : index
    %get3A_15 = arith.constant 0 : index
    %get3A_16 = arith.constant 0 : index
    %get3A_17 = vector.load %arg2[%get3A_14, %get3A_15, %get3A_16] : memref<4x128x1536xf32, #tpu.memory_space<vmem>>, vector<1x128x1536xf32>
    %get3A_18 = vector.shape_cast %get3A_17 : vector<1x128x1536xf32> to vector<128x1536xf32>
    %get3A_19 = arith.constant 1 : index
    %get3A_20 = arith.constant 0 : index
    %get3A_21 = arith.constant 0 : index
    %get3A_22 = vector.load %arg1[%get3A_19, %get3A_20, %get3A_21] : memref<4x3x1536xf32, #tpu.memory_space<vmem>>, vector<1x3x1536xf32>
    %get3A_23 = vector.shape_cast %get3A_22 : vector<1x3x1536xf32> to vector<3x1536xf32>
    %dot_general3A_24 = arith.constant dense<0.000000e+00> : vector<128x3xf32>
    %dot_general3A_25 = tpu.matmul %get3A_18, %get3A_23, %dot_general3A_24 {dimension_numbers = #tpu.dot_dimension_numbers<[1], [1], [0], [0], [0, 0, 1, 0], [], []>, transpose_lhs_hint = false} : vector<128x1536xf32>, vector<3x1536xf32>, vector<128x3xf32> -> vector<128x3xf32>
    %mul3A_26 = arith.mulf %dot_general3A_25, %dot_general3A_25 : vector<128x3xf32>
    %reduce_sum3A_27 = vector.shape_cast %mul3A_26 : vector<128x3xf32> to vector<1x128x3xf32>
    %reduce_sum3A_28 = arith.constant dense<0.000000e+00> : vector<1xf32>
    %reduce_sum3A_29 = vector.multi_reduction <add>, %reduce_sum3A_27, %reduce_sum3A_28 [1, 2] : vector<1x128x3xf32> to vector<1xf32>
    %reduce_sum3A_30 = vector.shape_cast %reduce_sum3A_29 : vector<1xf32> to vector<1x1x1xf32>
    %reduce_sum3A_31 = vector.extract %reduce_sum3A_30[0, 0, 0] : f32 from vector<1x1x1xf32>
    %broadcast_in_dim3A_32 = vector.broadcast %reduce_sum3A_31 : f32 to vector<1x1xf32>
    %get3A_33 = arith.constant 2 : index
    %get3A_34 = arith.constant 0 : index
    %get3A_35 = arith.constant 0 : index
    %get3A_36 = vector.load %arg2[%get3A_33, %get3A_34, %get3A_35] : memref<4x128x1536xf32, #tpu.memory_space<vmem>>, vector<1x128x1536xf32>
    %get3A_37 = vector.shape_cast %get3A_36 : vector<1x128x1536xf32> to vector<128x1536xf32>
    %get3A_38 = arith.constant 2 : index
    %get3A_39 = arith.constant 0 : index
    %get3A_40 = arith.constant 0 : index
    %get3A_41 = vector.load %arg1[%get3A_38, %get3A_39, %get3A_40] : memref<4x3x1536xf32, #tpu.memory_space<vmem>>, vector<1x3x1536xf32>
    %get3A_42 = vector.shape_cast %get3A_41 : vector<1x3x1536xf32> to vector<3x1536xf32>
    %dot_general3A_43 = arith.constant dense<0.000000e+00> : vector<128x3xf32>
    %dot_general3A_44 = tpu.matmul %get3A_37, %get3A_42, %dot_general3A_43 {dimension_numbers = #tpu.dot_dimension_numbers<[1], [1], [0], [0], [0, 0, 1, 0], [], []>, transpose_lhs_hint = false} : vector<128x1536xf32>, vector<3x1536xf32>, vector<128x3xf32> -> vector<128x3xf32>
    %mul3A_45 = arith.mulf %dot_general3A_44, %dot_general3A_44 : vector<128x3xf32>
    %reduce_sum3A_46 = vector.shape_cast %mul3A_45 : vector<128x3xf32> to vector<1x128x3xf32>
    %reduce_sum3A_47 = arith.constant dense<0.000000e+00> : vector<1xf32>
    %reduce_sum3A_48 = vector.multi_reduction <add>, %reduce_sum3A_46, %reduce_sum3A_47 [1, 2] : vector<1x128x3xf32> to vector<1xf32>
    %reduce_sum3A_49 = vector.shape_cast %reduce_sum3A_48 : vector<1xf32> to vector<1x1x1xf32>
    %reduce_sum3A_50 = vector.extract %reduce_sum3A_49[0, 0, 0] : f32 from vector<1x1x1xf32>
    %broadcast_in_dim3A_51 = vector.broadcast %reduce_sum3A_50 : f32 to vector<1x1xf32>
    %get3A_52 = arith.constant 3 : index
    %get3A_53 = arith.constant 0 : index
    %get3A_54 = arith.constant 0 : index
    %get3A_55 = vector.load %arg2[%get3A_52, %get3A_53, %get3A_54] : memref<4x128x1536xf32, #tpu.memory_space<vmem>>, vector<1x128x1536xf32>
    %get3A_56 = vector.shape_cast %get3A_55 : vector<1x128x1536xf32> to vector<128x1536xf32>
    %get3A_57 = arith.constant 3 : index
    %get3A_58 = arith.constant 0 : index
    %get3A_59 = arith.constant 0 : index
    %get3A_60 = vector.load %arg1[%get3A_57, %get3A_58, %get3A_59] : memref<4x3x1536xf32, #tpu.memory_space<vmem>>, vector<1x3x1536xf32>
    %get3A_61 = vector.shape_cast %get3A_60 : vector<1x3x1536xf32> to vector<3x1536xf32>
    %dot_general3A_62 = arith.constant dense<0.000000e+00> : vector<128x3xf32>
    %dot_general3A_63 = tpu.matmul %get3A_56, %get3A_61, %dot_general3A_62 {dimension_numbers = #tpu.dot_dimension_numbers<[1], [1], [0], [0], [0, 0, 1, 0], [], []>, transpose_lhs_hint = false} : vector<128x1536xf32>, vector<3x1536xf32>, vector<128x3xf32> -> vector<128x3xf32>
    %mul3A_64 = arith.mulf %dot_general3A_63, %dot_general3A_63 : vector<128x3xf32>
    %reduce_sum3A_65 = vector.shape_cast %mul3A_64 : vector<128x3xf32> to vector<1x128x3xf32>
    %reduce_sum3A_66 = arith.constant dense<0.000000e+00> : vector<1xf32>
    %reduce_sum3A_67 = vector.multi_reduction <add>, %reduce_sum3A_65, %reduce_sum3A_66 [1, 2] : vector<1x128x3xf32> to vector<1xf32>
    %reduce_sum3A_68 = vector.shape_cast %reduce_sum3A_67 : vector<1xf32> to vector<1x1x1xf32>
    %reduce_sum3A_69 = vector.extract %reduce_sum3A_68[0, 0, 0] : f32 from vector<1x1x1xf32>
    %broadcast_in_dim3A_70 = vector.broadcast %reduce_sum3A_69 : f32 to vector<1x1xf32>
    %stack3A = vector.shape_cast %broadcast_in_dim3A : vector<1x1xf32> to vector<1x1x1xf32>
    %stack3A_71 = vector.shape_cast %broadcast_in_dim3A_32 : vector<1x1xf32> to vector<1x1x1xf32>
    %stack3A_72 = vector.shape_cast %broadcast_in_dim3A_51 : vector<1x1xf32> to vector<1x1x1xf32>
    %stack3A_73 = vector.shape_cast %broadcast_in_dim3A_70 : vector<1x1xf32> to vector<1x1x1xf32>
    %stack3A_74 = tpu.concatenate %stack3A, %stack3A_71, %stack3A_72, %stack3A_73 in 0 : vector<1x1x1xf32>, vector<1x1x1xf32>, vector<1x1x1xf32>, vector<1x1x1xf32> -> vector<4x1x1xf32>
    %swap3A = arith.constant 0 : index
    %swap3A_75 = arith.constant 0 : index
    %swap3A_76 = arith.constant 0 : index
    %swap3A_77 = vector.load %arg3[%swap3A, %swap3A_75, %swap3A_76] : memref<4x1x1xf32, #tpu.memory_space<vmem>>, vector<4x1x1xf32>
    tpu.vector_store %arg3[%swap3A, %swap3A_75, %swap3A_76], %stack3A_74 {strides = array<i32>} : memref<4x1x1xf32, #tpu.memory_space<vmem>>, vector<4x1x1xf32>,
    return
  }
  func.func @transform_0(%arg0: i32) -> (i32, i32, i32) {
    %add3A = arith.constant 2 : i32
    %add3A_0 = arith.addi %arg0, %add3A : i32
    %c0_i32 = arith.constant 0 : i32
    %c0_i32_1 = arith.constant 0 : i32
    %c0_i32_2 = arith.constant 0 : i32
    return %add3A_0, %c0_i32, %c0_i32_1 : i32, i32, i32
  }
  func.func @transform_1(%arg0: i32) -> (i32, i32, i32) {
    %add3A = arith.constant 2 : i32
    %add3A_0 = arith.addi %arg0, %add3A : i32
    %c0_i32 = arith.constant 0 : i32
    %c0_i32_1 = arith.constant 0 : i32
    %c0_i32_2 = arith.constant 0 : i32
    return %add3A_0, %c0_i32, %c0_i32_1 : i32, i32, i32
  }
  func.func @transform_2(%arg0: i32) -> (i32, i32, i32) {
    %c0_i32 = arith.constant 0 : i32
    %c0_i32_0 = arith.constant 0 : i32
    %c0_i32_1 = arith.constant 0 : i32
    return %arg0, %c0_i32, %c0_i32_0 : i32, i32, i32
  }
}

</mosaic_0001>

<sc_bundles>
// kernel: kernel.4.cloned.1.call-start
scs
__scs_entry_jumppad:
0x0: {  	(pc) =	sbr.rel $0x88, $3  }
0x1: {  	(tag) =	ssettag $0x0;
	lr =	simm.s32 $0x1  }
0x2: {  	[smem:$0x3F9F] =	sst lr;
	_ =	strace $0xD0000000  }
0x3: {  	_ = 	snop  }
0x4: {  	_ = 	snop  }
0x5: {  	_ = 	snop  }
0x6: {  	_ = 	snop  }
0x7: {  	_ = 	snop  }
__scs_overlays_trampoline_lowered:
0x8: {  	[smem:$0x3FAE] =	sst s0  }
0x9: {  	[smem:$0x3FAF] =	sst s1  }
0xa: {  	[smem:$0x3FB0] =	sst s2  }
0xb: {  	[smem:$0x3FB1] =	sst s3  }
0xc: {  	[smem:$0x3FB2] =	sst s4  }
0xd: {  	[smem:$0x3FB3] =	sst s5  }
0xe: {  	[smem:$0x3FB4] =	sst s6  }
0xf: {  	[smem:$0x3FB5] =	sst s7  }
0x10: {  	[smem:$0x3FB6] =	sst s8  }
0x11: {  	[smem:$0x3FB7] =	sst s9;
	s0 =	simm.s32 @!p0 $0x0  }
0x12: {  	s1 =	sld [smem:$0x3F9D];
	s0 =	simm.s32 @p0 $0x1  }
0x13: {  	[smem:$0x3FB8] =	sst s0;
	s0 =	simm.s32 @!p1 $0x0  }
0x14: {  	s2 =	sld [smem:$0x3F9C];
	s0 =	simm.s32 @p1 $0x1  }
0x15: {  	[smem:$0x3FB9] =	sst s0;
	s0 =	simm.s32 @!p2 $0x0  }
0x16: {  	s3 =	sld [smem:$0x3FDB];
	s0 =	simm.s32 @p2 $0x1  }
0x17: {  	s4 =	simm.s32 $0x1BF5;
	[smem:$0x3FBB] =	sst s0  }
0x18: {  	s0 =	sld [smem:$0x3F9E];
	_ =	swait.ge [sflag:s4], $0x0  }
0x19: {  	s7 =	sld [smem:$0x3F9F]  }
0x1a: {  	s8 =	sadd.s32 $0xFFFFE003, lr  }
0x1b: {  	s9 =	sadd.s32 $0xFFFFFEF7, lr;
	s5 =	simm.s32 $0xFFFFFFFF;
	p2 =	slt.u32 s8, $0xFFFFF086  }
0x1c: {  	p1 =	slt.u32 s9, $0xF7A;
	s5 =	simm.s32 @!p2 $0x0  }
0x1d: {  	s5 =	simm.s32 @p1 $0x1;
	p0 =	seq.s32 s7, s2  }
0x1e: {  	s7 =	smul.u32 @!p0 $0xF7A, s2;
	p2 =	seq.s32 @!p0 s5, $0x0  }
0x1f: {  	s9 =	smul.u32 $0xF7A, s1;
	s8 =	simm.s32 @!p0 $0x1BF5;
	p2 =	por !p2, p0  }
0x20: {  	[sflag:s8] =	ssyncset.s32 @!p0 $0xFFFFF086;
	s6 =	sadd.s32 @!p0 s3, s7;
	s7 =	simm.s32 @!p0 $0x108  }
0x21: {  	s3 =	sadd.s32 s3, s9;
	s6 =	sadd.s32 @!p0 $0x88, s6;
	s7 =	simm.s32 @p2 $0x1082  }
0x22: {  	[simem:s7], [sflag:s8] =	dma.local @!p0 [hbm:s6], $0xF7A  }
0x23: {  	s9 =	sor.u32 $0xD0000000, s2;
	s6 =	simm.s32 $0x108;
	_ =	swait.ge @!p0 [sflag:s8], $0x0  }
0x24: {  	s3 =	sadd.s32 $0x88, s3;
	s6 =	simm.s32 @!p1 $0x1082;
	[sflag:s4] =	ssyncset.s32 $0xFFFFF086  }
0x25: {  	[simem:s6], [sflag:s4] =	dma.local [hbm:s3], $0xF7A  }
0x26: {  	[smem:$0x3F9F] =	sst s1;
	(tag) =	ssettag s2;
	_ =	strace s9  }
0x27: {  	s1 =	sld [smem:$0x3FAF]  }
0x28: {  	s2 =	sld [smem:$0x3FB0]  }
0x29: {  	s4 =	sld [smem:$0x3FB2]  }
0x2a: {  	p0 =	seq.s32 s5, $0x0;
	s5 =	sld [smem:$0x3FB3]  }
0x2b: {  	s6 =	sld [smem:$0x3FB4]  }
0x2c: {  	s7 =	sld [smem:$0x3FB5]  }
0x2d: {  	s3 =	simm.s32 $0x108;
	s8 =	sld [smem:$0x3FB6]  }
0x2e: {  	s3 =	simm.s32 @!p0 $0x1082;
	s9 =	sld [smem:$0x3FB7]  }
0x2f: {  	lr =	sadd.s32 s0, s3;
	s0 =	sld [smem:$0x3FAE]  }
0x30: {  	s3 =	sld [smem:$0x3FB1]  }
0x31: {  	[smem:$0x3FBA] =	sst s10  }
0x32: {  	s10 =	sld [smem:$0x3FB8];
	_ =	sdelay $0x3  }
0x33: {  	p0 =	seq.s32 s10, $0x1;
	s10 =	sld [smem:$0x3FBA];
	_ =	sdelay $0x3  }
0x34: {  	[smem:$0x3FBA] =	sst s10  }
0x35: {  	s10 =	sld [smem:$0x3FB9];
	_ =	sdelay $0x3  }
0x36: {  	p1 =	seq.s32 s10, $0x1;
	s10 =	sld [smem:$0x3FBA];
	_ =	sdelay $0x3  }
0x37: {  	[smem:$0x3FBA] =	sst s10  }
0x38: {  	s10 =	sld [smem:$0x3FBB]  }
0x39: {  	_ = 	snop;
	(pc) =	sbr.ind lr, $3  }
0x3a: {  	_ = 	snop  }
0x3b: {  	_ = 	snop  }
0x3c: {  	p2 =	seq.s32 s10, $0x1;
	s10 =	sld [smem:$0x3FBA]  }
0x3d: {  	_ =	shalt  }
0x3e: {  	_ =	shalt  }
0x3f: {  	_ =	shalt  }
0x40: {  	_ =	shalt  }
0x41: {  	_ =	shalt  }
0x42: {  	_ =	shalt  }
0x43: {  	_ =	shalt  }
0x44: {  	_ =	shalt  }
0x45: {  	_ =	shalt  }
0x46: {  	_ =	shalt  }
0x47: {  	_ =	shalt  }
0x48: {  	_ =	shalt  }
0x49: {  	_ =	shalt  }
0x4a: {  	_ =	shalt  }
0x4b: {  	_ =	shalt  }
0x4c: {  	_ =	shalt  }
0x4d: {  	_ =	shalt  }
0x4e: {  	_ =	shalt  }
0x4f: {  	_ =	shalt  }
0x50: {  	_ =	shalt  }
0x51: {  	_ =	shalt  }
0x52: {  	_ =	shalt  }
0x53: {  	_ =	shalt  }
0x54: {  	_ =	shalt  }
0x55: {  	_ =	shalt  }
0x56: {  	_ =	shalt  }
0x57: {  	_ =	shalt  }
0x58: {  	_ =	shalt  }
0x59: {  	_ =	shalt  }
0x5a: {  	_ =	shalt  }
0x5b: {  	_ =	shalt  }
0x5c: {  	_ =	shalt  }
0x5d: {  	_ =	shalt  }
0x5e: {  	_ =	shalt  }
0x5f: {  	_ =	shalt  }
0x60: {  	_ =	shalt  }
0x61: {  	_ =	shalt  }
0x62: {  	_ =	shalt  }
0x63: {  	_ =	shalt  }
0x64: {  	_ =	shalt  }
0x65: {  	_ =	shalt  }
0x66: {  	_ =	shalt  }
0x67: {  	_ =	shalt  }
0x68: {  	_ =	shalt  }
0x69: {  	_ =	shalt  }
0x6a: {  	_ =	shalt  }
0x6b: {  	_ =	shalt  }
0x6c: {  	_ =	shalt  }
0x6d: {  	_ =	shalt  }
0x6e: {  	_ =	shalt  }
0x6f: {  	_ =	shalt  }
0x70: {  	_ =	shalt  }
0x71: {  	_ =	shalt  }
0x72: {  	_ =	shalt  }
0x73: {  	_ =	shalt  }
0x74: {  	_ =	shalt  }
0x75: {  	_ =	shalt  }
0x76: {  	_ =	shalt  }
0x77: {  	_ =	shalt  }
0x78: {  	_ =	shalt  }
0x79: {  	_ =	shalt  }
0x7a: {  	_ =	shalt  }
0x7b: {  	_ =	shalt  }
0x7c: {  	_ =	shalt  }
0x7d: {  	_ =	shalt  }
0x7e: {  	_ =	shalt  }
0x7f: {  	_ =	shalt  }
0x80: {  	_ =	shalt  }
0x81: {  	_ =	shalt  }
0x82: {  	_ =	shalt  }
0x83: {  	_ =	shalt  }
0x84: {  	_ =	shalt  }
0x85: {  	_ =	shalt  }
0x86: {  	_ =	shalt  }
0x87: {  	_ =	shalt  }
.Lfunc_end0:
.L_simem_size_0:
called_computation_lowered:
.L_overlay_start_0:
0x88: {  	s2 =	sld [smem:$0x3FD9]  }
0x89: {  	s3 =	sld [smem:$0x3FFE];
	_ =	sdelay $0x1  }
0x8a: {  	s1 =	srdreg.scid  }
0x8b: {  	s0 =	sand.u32 $0x1, s1  }
0x8c: {  	s16 =	sshll.u32 s0, $0xA;
	s2 =	sadd.s32 s3, s2  }
0x8d: {  	s2 =	sadd.s32 s2, s16  }
0x8e: {  	[smem:$0x3FC6] =	sst s2  }
0x8f: {  	_ = 	snop  }
0x90: {  	(tm) =	ssettm $0x1  }
0x91: {  	s17 =	sld [smem:$0x3FFB];
	_ =	sdelay $0x3  }
0x92: {  	_ =	strace s17  }
0x93: {  	s2 =	sld [smem:$0x3FFC];
	_ =	sdelay $0x3  }
0x94: {  	_ =	strace s2  }
0x95: {  	s2 =	sld [smem:$0x3FFD];
	_ =	sdelay $0x3  }
0x96: {  	_ =	strace s2  }
0x97: {  	_ =	strace $0x8FFFFFFF  }
0x98: {  	s18 =	sld [smem:$0x3FDB];
	_ =	sdelay $0x1  }
0x99: {  	s19 =	simm.s32 $_scs_section_size  }
0x9a: {  	s4 =	simm.s32 $_size__tile_overlayer_lowered;
	s5 =	simm.s32 $_tile_overlayer_lowered  }
0x9b: {  	s22 =	simm.s32 $0x1BFF;
	s21 =	sshll.u32 s5, $0x1;
	s2 =	sadd.s32 s19, s18  }
0x9c: {  	s6 =	simm.s32 $0x0;
	s20 =	sshll.u32 s4, $0x1;
	s4 =	sadd.s32 s21, s2  }
0x9d: {  	[timem:s6], [sflag:s22] =	dma.local [hbm:s4], s20  }
0x9e: {  	_ =	swait.ge [sflag:s22], s20  }
0x9f: {  	s3 =	ssub.s32 $0x0, s20;
	[sflag:s22] =	ssyncset.done $0x0  }
0xa0: {  	[sflag:s22] =	ssyncadd.s32 s3;
	_ =	sdelay $0x1  }
0xa1: {  	s23 =	simm.s32 $0x1B8B  }
0xa2: {  	_ =	swait.ge [sflag:s23], $0x1  }
0xa3: {  	[sflag:s23] =	ssyncset.done $0x0  }
0xa4: {  	s25 =	simm.s32 $0x1B8E;
	s24 =	sld [smem:$0x3FFE];
	[sflag:s23] =	ssyncadd.s32 $0xFFFFFFFF  }
0xa5: {  	s26 =	simm.s32 $execute0_lowered;
	[smem:$0x3FD2] =	sst s25  }
0xa6: {  	s4 =	sshll.u32 s26, $0x1;
	_ =	strace $0x80000046;
	[dreg:$0x1] =	wrdreg $0xFFFFFFFF  }
0xa7: {  	s28 =	simm.s32 $_size_execute0_lowered;
	s2 =	sadd.s32 s2, s4;
	[dreg:$0x0] =	wrdreg $0x0  }
0xa8: {  	s4 =	sshll.u32 s28, $0x1;
	[dreg:$0x2] =	wrdreg s2  }
0xa9: {  	[dreg:$0x3] =	wrdreg s4  }
0xaa: {  	[dreg:$0x4] =	wrdreg $0xC0  }
0xab: {  	_ =	task [dreg:s6], $0x5FFFF  }
0xac: {  	[dreg:$0x1] =	wrdreg $0xFFFFFFFF  }
0xad: {  	[dreg:$0x0] =	wrdreg $0x60  }
0xae: {  	[dreg:$0x2] =	wrdreg s24  }
0xaf: {  	[dreg:$0x3] =	wrdreg $0x9  }
0xb0: {  	_ =	task.clear_ibuf [dreg:s6], $0x4FFFF;
	_ =	strace $0x90000046  }
0xb1: {  	s29 =	simm.s32 $0x9;
	_ =	strace $0x80000048  }
0xb2: {  	_ =	swait.ge [sflag:s29], $0x1  }
0xb3: {  	[sflag:s29] =	ssyncadd.s32 $0xFFFFFFFF  }
0xb4: {  	_ =	strace $0x90000048  }
0xb5: {  	_ =	sfence  }
0xb6: {  	s30 =	sld [smem:$0x0];
	_ =	sdelay $0x2  }
0xb7: {  	s31 =	sshll.u32 s1, $0xD;
	s1 =	sshrl.u32 s1, $0x2  }
0xb8: {  	s3 =	sand.u32 $0x4000, s31;
	s1 =	sadd.s32 s1, s30  }
0xb9: {  	s0 =	sor.u32 s3, s0;
	s1 =	sshll.u32 s1, $0x11  }
0xba: {  	s0 =	sor.u32 s1, s0  }
0xbb: {  	s0 =	sadd.s32 $0x8F2B, s0  }
0xbc: {  	[sflag:s0] =	ssyncadd.remote.s32 $0x1  }
0xbd: {  	_ =	sfence.sel $0xFFFF  }
0xbe: {  	[dreg:$0x0] =	wrdreg $0xFFFFFFFF;
	(pc) =	sbr.abs _section_cstart, $3  }
0xbf: {  	[dreg:$0x1] =	wrdreg $0xFFFFFFFF  }
0xc0: {  	_ =	task.clear_ibuf [dreg:s6], $0x2FFFF;
	_ =	strace $0x9FFFFFFF  }
0xc1: {  	(tm) =	ssettm $0x7FFFFFFF  }
tec
execute0_lowered:
.L_overlay_start_1:
0x0: {  	(tag) =	ssettag $0x1  }
0x1: {  	v0 =	vimm.s32 $0x3380;
	vm8 =	vcmask $0x300;
	vm9 =	vcmask $0x704  }
0x2: {  	vm10 =	vcmask $0xB08;
	vm11 =	vcmask $0xF0C;
	vm4 =	vcmask $0x1310  }
0x3: {  	vm7 =	vcmask $0x1714;
	vm6 =	vcmask $0x1B18;
	vm5 =	vcmask $0x1F1C  }
0x4: {  	vm3 =	vcmask $0x2320;
	vm2 =	vcmask $0x2724;
	vm1 =	vcmask $0x2B28  }
0x5: {  	v1 =	vimm.s32 $0x3383;
	vm0 =	vcmask $0x2F2C;
	v2 =	vimm.s32 $0x3210FEDC  }
0x6: {  	v3 =	vimm.s32 $0xBA987654;
	vm13 =	vcmask $0x3330;
	v4 =	vimm.s32 $0x10FEDCBA  }
0x7: {  	v61 =	vimm.s32 $0x98765432;
	v5 =	vimm.s32 $0xFEDCBA9;
	v6 =	vimm.s32 $0x87654321  }
0x8: {  	v62 =	vimm.s32 $0xFEDCBA98;
	v63 =	vimm.s32 $0x76543210;
	vm14 =	vcmask $0x3734  }
0x9: {  	vm15 =	vcmask $0x3B38;
	v0 =	vsel vm8, $0x0, v0;
	v1 =	vsel vm8, $0x3, v1  }
0xa: {  	v2 =	vunpack.c.l.s4.s8 v2;
	v3 =	vunpack.c.l.s4.s8 v3;
	v1 =	vsel vm9, $0x83, v1  }
0xb: {  	v5 =	vunpack.c.l.s4.s8 v5;
	v0 =	vsel vm9, $0x80, v0;
	v1 =	vsel vm10, $0x103, v1  }
0xc: {  	v2 =	vunpack.c.0.s8.s32 v2;
	v3 =	vunpack.c.0.s8.s32 v3;
	v1 =	vsel vm11, $0x183, v1  }
0xd: {  	s0 =	srdreg.scid;
	s6 =	rddreg [dreg:$0x0];
	v6 =	vunpack.c.l.s4.s8 v6;
	v0 =	vsel vm10, $0x100, v0;
	v1 =	vsel vm4, $0x203, v1  }
0xe: {  	s2 =	simm.s32 $0x0;
	s7 =	simm.s32 $0x1;
	s12 =	simm.s32 $0x2;
	v5 =	vunpack.c.0.s8.s32 v5;
	v2 =	vcombine.low v3, v2;
	v1 =	vsel vm7, $0x283, v1  }
0xf: {  	s13 =	simm.s32 $0xC280;
	s14 =	simm.s32 $0xC200;
	s15 =	simm.s32 $0x0;
	v3 =	vunpack.c.l.s4.s8 v4;
	v4 =	vunpack.c.l.s4.s8 v61;
	v1 =	vsel vm6, $0x303, v1  }
0x10: {  	s3 =	sand.u32 $0x1, s0;
	s0 =	stileid.u32;
	[smem:$0x7FF] =	sst s2;
	v6 =	vunpack.c.0.s8.s32 v6;
	v0 =	vsel vm11, $0x180, v0;
	v1 =	vsel vm5, $0x383, v1  }
0x11: {  	s9 =	sadd.s32 $0x180000, s6;
	s1 =	sshll.u32 s3, $0x4;
	s4 =	sand.u32 $0x3, s0;
	v3 =	vunpack.c.0.s8.s32 v3;
	v4 =	vunpack.c.0.s8.s32 v4;
	v1 =	vsel vm3, $0x3003, v1  }
0x12: {  	s26 =	sshll.u32 s0, $0x4;
	s3 =	ssub.s32 $0x2, s3;
	s5 =	sor.u32 s0, s1;
	v0 =	vsel vm4, $0x200, v0;
	v5 =	vcombine.low v6, v5;
	v1 =	vsel vm2, $0x3083, v1  }
0x13: {  	p1 =	sne.s32 s4, $0x0;
	s1 =	rddreg [dreg:$0x1];
	p0 =	seq.s32 s5, $0x0;
	v3 =	vcombine.low v4, v3;
	v4 =	vunpack.c.l.s4.s8 v62;
	v1 =	vsel vm1, $0x3103, v1  }
0x14: {  	_ =	strace $0x80000047;
	s11 =	sshrl.u32 s3, $0x1;
	p0 =	por !p1, !p0;
	v6 =	vunpack.c.l.s4.s8 v63;
	v0 =	vsel vm7, $0x280, v0;
	v1 =	vsel vm0, $0x3183, v1  }
0x15: {  	s4 =	smul.u32 $0xC000, s4;
	s8 =	sshrl.u32 s5, $0x2;
	p0 =	por !p0, !p0;
	v0 =	vsel vm6, $0x300, v0;
	v4 =	vunpack.c.0.s8.s32 v4;
	v1 =	vsel vm13, $0x3203, v1  }
0x16: {  	s11 =	ssub.s32 s3, s11;
	s5 =	sshll.u32 s5, $0x4;
	s7 =	simm.s32 @!p0 $0x0;
	v6 =	vunpack.c.0.s8.s32 v6;
	v0 =	vsel vm5, $0x380, v0;
	v1 =	vsel vm14, $0x3283, v1  }
0x17: {  	s30 =	sand.u32 $0x180, s5;
	s7 =	ssub.s32 s8, s7;
	s8 =	sand.u32 $0x70, s26;
	v0 =	vsel vm3, $0x3000, v0;
	v4 =	vand.u32 $0xF, v4;
	v1 =	vsel vm15, $0x3303, v1  }
0x18: {  	s10 =	smul.u32 $0x30000, s7;
	s8 =	sadd.s32 s8, s6;
	s7 =	sshll.u32 s7, $0x6;
	v0 =	vsel vm2, $0x3080, v0;
	[tilespmem:$0x1FFB0] =	vst v1;
	v1 =	vcombine.low v4, v6  }
0x19: {  	s3 =	simm.s32 $0x1;
	s7 =	sand.u32 $0x1FFFFFC0, s7;
	s31 =	sadd.s32 s30, s8;
	v0 =	vsel vm1, $0x3100, v0  }
0x1a: {  	s8 =	smax.u32 s11, $0x1;
	s11 =	simm.s32 $0x6200;
	s10 =	sadd.s32 s4, s10;
	v0 =	vsel vm0, $0x3180, v0;
	[tilespmem:$0x1FFC0] =	vst v1;
	v1 =	vand.u32 $0xF, v2  }
0x1b: {  	s4 =	sadd.s32 s6, s7;
	s7 =	sadd.s32 $0x1000, s31;
	s28 =	sadd.s32 $0x6000, s10;
	v0 =	vsel vm13, $0x3200, v0;
	[tilespmem:$0x1FFD0] =	vst v1;
	v1 =	vand.u32 $0xF, v3  }
0x1c: {  	s29 =	sshrl.u32 s10, $0x3;
	s10 =	simm.s32 $0x200;
	s6 =	sshrl.u32 s28, $0x3;
	v0 =	vsel vm14, $0x3280, v0;
	[tilespmem:$0x1FFE0] =	vst v1;
	v1 =	vand.u32 $0xF, v5  }
0x1d: {  	s5 =	sadd.s32 s9, s29;
	s6 =	sadd.s32 s9, s6;
	s9 =	simm.s32 $0x3;
	v0 =	vsel vm15, $0x3300, v0;
	[tilespmem:$0x1FFF0] =	vst v1  }
.LBB2_1:
0x1e: {  	v28 =	vimm.s32 $0x0;
	v7 =	vimm.s32 $0x1;
	v8 =	vimm.s32 $0x2  }
0x1f: {  	v20 =	vimm.s32 $0x0;
	v1 =	vadd.s32 $0x2A, v28;
	v2 =	vadd.s32 $0x2A, v7  }
0x20: {  	v3 =	vadd.s32 $0x2A, v8;
	v4 =	vadd.s32 $0x2D, v28;
	v5 =	vadd.s32 $0x2D, v7  }
0x21: {  	v9 =	vadd.s32 $0x24, v28;
	v10 =	vadd.s32 $0x24, v7;
	v12 =	vadd.s32 $0x2D, v8  }
0x22: {  	v13 =	vadd.s32 $0x24, v8;
	v14 =	vadd.s32 $0x27, v28;
	v15 =	vadd.s32 $0x27, v7  }
0x23: {  	v18 =	vadd.s32 $0x1E, v28;
	v17 =	vadd.s32 $0x1E, v7;
	v11 =	vadd.s32 $0x27, v8  }
0x24: {  	v19 =	vadd.s32 $0x1E, v8;
	v23 =	vadd.s32 $0x21, v28;
	v21 =	vadd.s32 $0x21, v7  }
0x25: {  	v22 =	vadd.s32 $0x18, v28;
	v29 =	vadd.s32 $0x18, v7;
	v24 =	vadd.s32 $0x21, v8  }
0x26: {  	v25 =	vadd.s32 $0x18, v8;
	v26 =	vadd.s32 $0x1B, v28;
	v6 =	vadd.s32 $0x1B, v7  }
0x27: {  	v16 =	vadd.s32 $0x12, v28;
	v27 =	vadd.s32 $0x12, v7;
	v30 =	vadd.s32 $0x1B, v8  }
0x28: {  	v31 =	vadd.s32 $0x12, v8;
	v32 =	vadd.s32 $0x15, v28;
	v33 =	vadd.s32 $0x15, v7  }
0x29: {  	v34 =	vadd.s32 $0xC, v7;
	v35 =	vadd.s32 $0xC, v8;
	v36 =	vadd.s32 $0x15, v8  }
0x2a: {  	v37 =	vand.u32 $0x70, v28;
	v38 =	vadd.s32 $0xF, v7;
	v39 =	vadd.s32 $0xF, v8  }
0x2b: {  	v40 =	vand.u32 $0x7F, v7;
	v41 =	vand.u32 $0x7E, v8;
	v42 =	vadd.s32 $0x6, v7  }
0x2c: {  	v43 =	vadd.s32 $0x6, v8;
	v44 =	vadd.s32 $0x9, v7;
	v45 =	vadd.s32 $0x9, v8  }
0x2d: {  	v46 =	vshll.u32 v28, $0x3;
	v47 =	vshll.u32 v7, $0x3;
	v48 =	vshll.u32 v8, $0x3  }
0x2e: {  	[tilespmem:$0x1FE80] =	vst v20;
	v49 =	vadd.s32 $0x3, v7;
	v20 =	vadd.s32 $0x3, v8;
	v50 =	vand.u32 $0x7A, v1  }
0x2f: {  	v51 =	vand.u32 $0x7F, v2;
	v52 =	vand.u32 $0x7E, v3;
	v53 =	vand.u32 $0x7D, v4  }
0x30: {  	v1 =	vshll.u32 v1, $0x3;
	v54 =	vand.u32 $0x7F, v5;
	v55 =	vand.u32 $0x7F, v12  }
0x31: {  	v56 =	vshll.u32 v2, $0x3;
	v3 =	vshll.u32 v3, $0x3;
	v4 =	vshll.u32 v4, $0x3  }
0x32: {  	v57 =	vand.u32 $0x74, v9;
	v5 =	vshll.u32 v5, $0x3;
	v12 =	vshll.u32 v12, $0x3  }
0x33: {  	v58 =	vand.u32 $0x7F, v10;
	v59 =	vand.u32 $0x7E, v13;
	v60 =	vand.u32 $0x77, v14  }
0x34: {  	v9 =	vshll.u32 v9, $0x3;
	v61 =	vand.u32 $0x7F, v15;
	v62 =	vand.u32 $0x7F, v11  }
0x35: {  	v63 =	vshll.u32 v10, $0x3;
	v13 =	vshll.u32 v13, $0x3;
	v14 =	vshll.u32 v14, $0x3  }
0x36: {  	[tilespmem:$0x1FEA0] =	vst v20;
	v10 =	vand.u32 $0x7E, v18;
	v15 =	vshll.u32 v15, $0x3;
	v20 =	vshll.u32 v11, $0x3  }
0x37: {  	v2 =	vand.u32 $0x7F, v17;
	v11 =	vand.u32 $0x7E, v19;
	v46 =	vand.u32 $0xFFFFFC00, v46  }
0x38: {  	v47 =	vand.u32 $0xFFFFFC00, v47;
	v18 =	vshll.u32 v18, $0x3;
	v48 =	vand.u32 $0xFFFFFC00, v48  }
0x39: {  	v17 =	vshll.u32 v17, $0x3;
	v19 =	vshll.u32 v19, $0x3;
	v37 =	vor.u32 v37, v46  }
0x3a: {  	v46 =	vand.u32 $0x71, v23;
	v28 =	vor.u32 v40, v47;
	v47 =	vand.u32 $0x7F, v21  }
0x3b: {  	v1 =	vand.u32 $0xFFFFFC00, v1;
	v23 =	vshll.u32 v23, $0x3;
	v21 =	vshll.u32 v21, $0x3  }
0x3c: {  	v56 =	vand.u32 $0xFFFFFC00, v56;
	v3 =	vand.u32 $0xFFFFFC00, v3;
	v4 =	vand.u32 $0xFFFFFC00, v4  }
0x3d: {  	v9 =	vand.u32 $0xFFFFFC00, v9;
	v5 =	vand.u32 $0xFFFFFC00, v5;
	v40 =	vand.u32 $0x7F, v30  }
0x3e: {  	v12 =	vand.u32 $0xFFFFFC00, v12;
	v30 =	vshll.u32 v30, $0x3;
	v63 =	vand.u32 $0xFFFFFC00, v63  }
0x3f: {  	v13 =	vand.u32 $0xFFFFFC00, v13;
	v14 =	vand.u32 $0xFFFFFC00, v14;
	v15 =	vand.u32 $0xFFFFFC00, v15  }
0x40: {  	v17 =	vand.u32 $0xFFFFFC00, v17;
	v19 =	vand.u32 $0xFFFFFC00, v19;
	[tilespmem:$0x1FEB0] =	vst v28;
	v28 =	vor.u32 v41, v48  }
0x41: {  	v48 =	vand.u32 $0x7F, v24;
	v1 =	vor.u32 v50, v1;
	v24 =	vshll.u32 v24, $0x3  }
0x42: {  	v51 =	vor.u32 v51, v56;
	v50 =	vand.u32 $0x7F, v29;
	v3 =	vor.u32 v52, v3  }
0x43: {  	v4 =	vor.u32 v53, v4;
	v57 =	vor.u32 v57, v9;
	v9 =	vand.u32 $0x7F, v6  }
0x44: {  	v5 =	vor.u32 v54, v5;
	v29 =	vshll.u32 v29, $0x3;
	v12 =	vor.u32 v55, v12  }
0x45: {  	v55 =	vand.u32 $0x72, v16;
	v6 =	vshll.u32 v6, $0x3;
	v58 =	vor.u32 v58, v63  }
0x46: {  	v63 =	vand.u32 $0x7F, v27;
	v52 =	vor.u32 v59, v13;
	v59 =	vand.u32 $0x7E, v31  }
0x47: {  	v53 =	vor.u32 v60, v14;
	v60 =	vand.u32 $0x75, v32;
	v16 =	vshll.u32 v16, $0x3  }
0x48: {  	v41 =	vor.u32 v61, v15;
	v61 =	vand.u32 $0x7F, v36;
	v27 =	vshll.u32 v27, $0x3  }
0x49: {  	v31 =	vshll.u32 v31, $0x3;
	v32 =	vshll.u32 v32, $0x3;
	v36 =	vshll.u32 v36, $0x3  }
0x4a: {  	v14 =	vor.u32 v2, v17;
	v17 =	vand.u32 $0x7E, v35;
	v15 =	vor.u32 v11, v19  }
0x4b: {  	v19 =	vand.u32 $0xFFFFFC00, v23;
	v21 =	vand.u32 $0xFFFFFC00, v21;
	v30 =	vand.u32 $0xFFFFFC00, v30;
	[tilespmem:$0x1FEE0] =	vst v1  }
0x4c: {  	v11 =	vadd.s32 v0, v37;
	v1 =	vand.u32 $0x78, v22;
	[tilespmem:$0x1FEF0] =	vst v3;
	v3 =	vand.u32 $0x7E, v25  }
0x4d: {  	[tilespmem:$0x1FF00] =	vst v4;
	v4 =	vand.u32 $0x7B, v26;
	v22 =	vshll.u32 v22, $0x3;
	v25 =	vshll.u32 v25, $0x3  }
0x4e: {  	[tilespmem:$0x1FF10] =	vst v5;
	v26 =	vshll.u32 v26, $0x3;
	v5 =	vand.u32 $0xFFFFFC00, v18;
	v18 =	vand.u32 $0x7F, v33  }
0x4f: {  	v33 =	vshll.u32 v33, $0x3;
	v54 =	vor.u32 v46, v19;
	v46 =	vand.u32 $0x7F, v39  }
0x50: {  	v19 =	vshll.u32 v34, $0x3;
	v13 =	vor.u32 v47, v21;
	v22 =	vand.u32 $0xFFFFFC00, v22  }
0x51: {  	[tilespmem:$0x1FEC0] =	vst v28;
	v28 =	vand.u32 $0x7E, v43;
	v23 =	vor.u32 v1, v22;
	v1 =	vand.u32 $0xFFFFFC00, v29  }
0x52: {  	v39 =	vshll.u32 v39, $0x3;
	v24 =	vand.u32 $0xFFFFFC00, v24;
	v29 =	vor.u32 v50, v1;
	v1 =	vld [tilespmem:$0x1FEA0]  }
0x53: {  	v47 =	vand.u32 $0x7F, v45;
	v43 =	vshll.u32 v43, $0x3;
	v45 =	vshll.u32 v45, $0x3  }
0x54: {  	v16 =	vand.u32 $0xFFFFFC00, v16;
	v31 =	vand.u32 $0xFFFFFC00, v31;
	v2 =	vor.u32 v48, v24  }
0x55: {  	[tilespmem:s2], [sflag:$0x3] =	stream.linear.gather [hbm4b:s4+s2], $0x200, $0x38;
	v25 =	vand.u32 $0xFFFFFC00, v25;
	v48 =	vand.u32 $0x7F, v49;
	v26 =	vand.u32 $0xFFFFFC00, v26;
	[tilespmem:$0xC300] =	vst v63  }
0x56: {  	[tilespmem:$0x1FE90] =	vst v2;
	v3 =	vor.u32 v3, v25;
	v25 =	vshll.u32 v49, $0x3;
	v50 =	vor.u32 v4, v26  }
0x57: {  	_ =	swait.ge [sflag:s9], $0x200;
	v26 =	vand.u32 $0x7F, v1;
	v49 =	vshll.u32 v1, $0x3;
	v1 =	vand.u32 $0xFFFFFC00, v6  }
0x58: {  	v32 =	vand.u32 $0xFFFFFC00, v32;
	v36 =	vand.u32 $0xFFFFFC00, v36;
	[sflag:s9] =	ssyncset.done $0x0;
	v9 =	vor.u32 v9, v1;
	v1 =	vld [tilespmem:$0x1FEB0]  }
0x59: {  	v14 =	vadd.s32 v0, v14;
	v10 =	vor.u32 v10, v5;
	v24 =	vand.u32 $0x7F, v44;
	[sflag:s9] =	ssyncadd.s32 $0xFFFFFE00  }
0x5a: {  	v44 =	vshll.u32 v44, $0x3;
	v56 =	vand.u32 $0xFFFFFC00, v19;
	v19 =	vor.u32 v40, v30;
	[tilespmem:s10], [sflag:$0x1] =	stream.linear.gather [hbm4b:s5+s2], $0x6000, $0x38;
	[tilespmem:$0xC300] =	vst v63  }
0x5b: {  	v5 =	vand.u32 $0xFFFFFC00, v20;
	v20 =	vand.u32 $0x7F, v34;
	v44 =	vand.u32 $0xFFFFFC00, v44;
	[tilespmem:$0x1FED0] =	vst v19  }
0x5c: {  	v56 =	vor.u32 v20, v56;
	v20 =	vor.u32 v24, v44;
	[tilespmem:s11], [sflag:$0x2] =	stream.linear.gather [hbm4b:s6+s2], $0x6000, $0x38;
	v49 =	vand.u32 $0xFFFFFC00, v49;
	[tilespmem:$0xC300] =	vst v63  }
0x5d: {  	v24 =	vor.u32 v26, v49;
	v26 =	vadd.s32 v0, v53;
	v6 =	vadd.s32 v0, v1;
	v1 =	vld [tilespmem:$0x1FEC0];
	_ =	swait.ge [sflag:s3], $0x6000  }
0x5e: {  	v34 =	vshll.u32 v35, $0x3;
	v35 =	vshll.u32 v38, $0x3;
	v33 =	vand.u32 $0xFFFFFC00, v33;
	v19 =	vld [tilespmem:$0x1FFB0];
	[sflag:s3] =	ssyncset.done $0x0  }
0x5f: {  	s16 =	simm.s32 $0x0;
	v39 =	vand.u32 $0xFFFFFC00, v39;
	v62 =	vor.u32 v62, v5;
	v5 =	vand.u32 $0x7F, v38;
	[sflag:s3] =	ssyncadd.s32 $0xFFFFA000  }
0x60: {  	v4 =	vand.u32 $0xFFFFFC00, v27;
	v2 =	vand.u32 $0xFFFFFC00, v25;
	v25 =	vor.u32 v61, v36;
	v36 =	vld [tilespmem:s16+$0x0]  }
0x61: {  	v38 =	vor.u32 v63, v4;
	v4 =	vor.u32 v59, v31;
	v31 =	vadd.s32 v0, v51;
	v51 =	vld.idx.msk [tilespmem:v11+s10+$0x0], $0xffff  }
0x62: {  	v34 =	vand.u32 $0xFFFFFC00, v34;
	v30 =	vor.u32 v48, v2;
	v48 =	vadd.s32 v0, v54;
	v54 =	vld.idx.msk [tilespmem:v26+s10+$0x0], $0xffff  }
0x63: {  	v40 =	vadd.s32 v19, v37;
	v19 =	vor.u32 v60, v32;
	v32 =	vor.u32 v17, v34;
	v17 =	vld [tilespmem:$0x1FF00]  }
0x64: {  	v43 =	vand.u32 $0xFFFFFC00, v43;
	v45 =	vand.u32 $0xFFFFFC00, v45;
	v37 =	vor.u32 v18, v33;
	v18 =	vld [tilespmem:$0x1FEE0]  }
0x65: {  	v35 =	vand.u32 $0xFFFFFC00, v35;
	v2 =	vadd.s32 v0, v52;
	v53 =	vadd.s32 v0, v50;
	v50 =	vld.idx.msk [tilespmem:v14+s10+$0x0], $0xffff  }
0x66: {  	v16 =	vor.u32 v55, v16;
	v1 =	vadd.s32 v0, v1;
	[tilespmem:$0x1FF80] =	vst v19;
	v19 =	vor.u32 v5, v35;
	v5 =	vld [tilespmem:$0x1FEF0]  }
0x67: {  	v22 =	vand.u32 $0x7F, v42;
	v42 =	vshll.u32 v42, $0x3;
	v34 =	vadd.s32 v0, v57;
	v57 =	vld.idx.msk [tilespmem:v31+s10+$0x0], $0xffff  }
0x68: {  	v21 =	vor.u32 v46, v39;
	v42 =	vand.u32 $0xFFFFFC00, v42;
	v55 =	vadd.s32 v0, v17;
	v17 =	vld.idx.msk [tilespmem:v6+s10+$0x0], $0xffff  }
0x69: {  	v56 =	vadd.s32 v0, v56;
	v42 =	vor.u32 v22, v42;
	v18 =	vadd.s32 v0, v18;
	v6 =	vld [tilespmem:$0x1FF10]  }
0x6a: {  	v63 =	vor.u32 v28, v43;
	v22 =	vor.u32 v47, v45;
	v35 =	vadd.s32 v0, v10;
	v10 =	vld.idx.msk [tilespmem:v2+s10+$0x0], $0xffff  }
0x6b: {  	v61 =	vadd.s32 v0, v29;
	v49 =	vadd.s32 v0, v15;
	v46 =	vld.idx.msk [tilespmem:v1+s10+$0x0], $0xffff;
	v5 =	vadd.s32 v0, v5  }
0x6c: {  	v14 =	vadd.s32 v0, v42;
	v15 =	vbroadcast v36, $0xC;
	v1 =	vadd.s32 v0, v58;
	v45 =	vld.idx.msk [tilespmem:v40+s10+$0x0], $0xffff  }
0x6d: {  	v60 =	vadd.s32 v0, v16;
	v43 =	vbroadcast v36, $0xA;
	v29 =	vbroadcast v36, $0xB;
	v27 =	vld.idx.msk [tilespmem:v34+s10+$0x0], $0xffff  }
0x6e: {  	v26 =	vbroadcast v36, $0x9;
	v58 =	vadd.s32 v0, v23;
	v6 =	vadd.s32 v0, v6;
	v47 =	vld.idx.msk [tilespmem:v18+s10+$0x0], $0xffff  }
0x6f: {  	v44 =	vbroadcast v36, $0x6;
	v16 =	vbroadcast v36, $0x7;
	v28 =	vld.idx.msk [tilespmem:v55+s10+$0x0], $0xffff;
	[tilespmem:$0x1FF20] =	vst v6;
	v6 =	vadd.s32 v0, v41  }
0x70: {  	v2 =	vbroadcast v36, $0x0;
	[tilespmem:$0x1FF30] =	vst v6;
	v6 =	vadd.s32 v0, v12;
	v12 =	vld.idx.msk [tilespmem:v5+s10+$0x0], $0xffff;
	v5 =	vadd.s32 v0, v13  }
0x71: {  	v33 =	vbroadcast v36, $0x5;
	v42 =	vbroadcast v36, $0x2;
	v13 =	vld.idx.msk [tilespmem:v1+s10+$0x0], $0xffff;
	v1 =	vadd.s32 v0, v9;
	[tilespmem:$0x1FF60] =	vst v5  }
0x72: {  	v39 =	vbroadcast v36, $0x1;
	[tilespmem:$0x1FF70] =	vst v1;
	v5 =	vor.u32 $0x6, v11;
	v1 =	vmul.f32 v2, v51;
	v51 =	vld.idx.msk [tilespmem:v48+s10+$0x0], $0xffff  }
0x73: {  	v59 =	vadd.s32 v0, v38;
	v38 =	vmul.f32 v46, v2;
	v9 =	vmul.f32 v17, v2;
	v2 =	vld.idx.msk [tilespmem:v58+s10+$0x0], $0xffff  }
0x74: {  	v55 =	vor.u32 $0xC, v11;
	[tilespmem:$0x1FF40] =	vst v6;
	v6 =	vadd.s32 v0, v62;
	v62 =	vbroadcast v36, $0xE;
	v58 =	vld.idx.msk [tilespmem:v61+s10+$0x0], $0xffff  }
0x75: {  	v23 =	vbroadcast v36, $0xD;
	v61 =	vadd.s32 v0, v32;
	v32 =	vmul.f32 v10, v15;
	v10 =	vld.idx.msk [tilespmem:v56+s10+$0x0], $0xffff  }
0x76: {  	v63 =	vadd.s32 v0, v63;
	v40 =	vbroadcast v36, $0x4;
	v34 =	vmul.f32 v12, v62;
	v12 =	vld.idx.msk [tilespmem:v14+s10+$0x0], $0xffff  }
0x77: {  	v18 =	vadd.s32 v0, v3;
	v3 =	vadd.s32 v0, v4;
	v45 =	vmul.f32 v45, v39;
	v4 =	vld.idx.msk [tilespmem:v5+s10+$0x0], $0xffff  }
0x78: {  	v31 =	vimm.f32 $0.0e+00;
	v41 =	vbroadcast v36, $0x8;
	[tilespmem:$0x1FF50] =	vst v6;
	v6 =	vbroadcast v36, $0xF;
	v5 =	vld [tilespmem:$0x1FF80]  }
0x79: {  	v56 =	vadd.s32 v0, v19;
	v36 =	vbroadcast v36, $0x3;
	v48 =	vmul.f32 v47, v62;
	v14 =	vld.idx.msk [tilespmem:v55+s10+$0x0], $0xffff  }
0x7a: {  	v19 =	vimm.f32 $0.0e+00;
	v46 =	vmul.f32 v57, v62;
	v55 =	vmul.f32 v13, v15;
	v13 =	vld.idx.msk [tilespmem:v60+s10+$0x0], $0xffff  }
0x7b: {  	v47 =	vadd.s32 v0, v37;
	v62 =	vor.u32 $0xF, v11;
	v60 =	vor.u32 $0x9, v11;
	v11 =	vld.idx.msk [tilespmem:v59+s10+$0x0], $0xffff  }
0x7c: {  	v57 =	vmul.f32 v27, v15;
	v17 =	vmovc v6;
	v6 =	vmul.f32 v28, v6;
	v59 =	vld.idx.msk [tilespmem:v18+s10+$0x0], $0xffff;
	v18 =	vimm.f32 $0.0e+00  }
0x7d: {  	v49 =	vld.idx.msk [tilespmem:v49+s10+$0x0], $0xffff;
	v28 =	vimm.f32 $0.0e+00;
	[tilespmem:$0x1FF90] =	vst v18;
	v18 =	vimm.f32 $0.0e+00;
	v5 =	vadd.s32 v0, v5  }
0x7e: {  	s16 =	simm.s32 $0x40;
	v52 =	vld.idx.msk [tilespmem:v35+s10+$0x0], $0xffff;
	[tilespmem:$0x1FFA0] =	vst v18;
	v15 =	vmul.f32 v4, v42;
	v4 =	vadd.s32 v0, v20;
	v20 =	vimm.f32 $0.0e+00  }
.LBB2_2:
0x7f: {  	_ =	sdelay $0x1  }
0x80: {  	v9 =	vadd.f32 v9, v20;
	v12 =	vmul.f32 v12, v42  }
0x81: {  	v1 =	vadd.f32 v1, v19  }
0x82: {  	v18 =	vld [tilespmem:$0x1FED0];
	v10 =	vmul.f32 v10, v40;
	v9 =	vadd.f32 v12, v9  }
0x83: {  	v14 =	vmul.f32 v14, v40;
	v1 =	vadd.f32 v15, v1  }
0x84: {  	v9 =	vadd.f32 v10, v9;
	v10 =	vld.idx.msk [tilespmem:v62+s10+$0x0], $0xffff  }
0x85: {  	v1 =	vadd.f32 v14, v1;
	v14 =	vld.idx.msk [tilespmem:v63+s10+$0x0], $0xffff;
	v62 =	vadd.s32 v0, v22  }
0x86: {  	v63 =	vld.idx.msk [tilespmem:v60+s10+$0x0], $0xffff  }
0x87: {  	v19 =	vadd.s32 v0, v18;
	v18 =	vld [tilespmem:$0x1FE90]  }
0x88: {  	v13 =	vmul.f32 v13, v44  }
0x89: {  	v11 =	vmul.f32 v11, v44  }
0x8a: {  	v2 =	vmul.f32 v2, v41;
	v20 =	vmov v34;
	v1 =	vadd.f32 v13, v1;
	v34 =	vld.idx.msk [tilespmem:v62+s10+$0x0], $0xffff  }
0x8b: {  	v35 =	vmul.f32 v52, v43;
	v9 =	vadd.f32 v11, v9;
	v62 =	vmul.f32 v63, v36;
	v63 =	vld.idx.msk [tilespmem:v47+s10+$0x0], $0xffff  }
0x8c: {  	v11 =	vmul.f32 v58, v41;
	v1 =	vadd.f32 v2, v1;
	v47 =	vadd.s32 v0, v18;
	v18 =	vld [tilespmem:$0x1FF70]  }
0x8d: {  	v37 =	vadd.s32 v0, v30  }
0x8e: {  	v50 =	vmul.f32 v50, v43;
	v2 =	vadd.f32 v11, v9;
	v1 =	vadd.f32 v35, v1;
	_ =	sdelay $0x1  }
0x8f: {  	v3 =	vld.idx.msk [tilespmem:v3+s10+$0x0], $0xffff;
	v2 =	vadd.f32 v50, v2;
	v1 =	vadd.f32 v57, v1  }
0x90: {  	v5 =	vld.idx.msk [tilespmem:v5+s10+$0x0], $0xffff  }
0x91: {  	v12 =	vadd.s32 v0, v24;
	v15 =	vld.idx.msk [tilespmem:v61+s10+$0x0], $0xffff;
	v2 =	vadd.f32 v55, v2;
	v1 =	vadd.f32 v48, v1  }
0x92: {  	v13 =	vld.idx.msk [tilespmem:v37+s10+$0x0], $0xffff  }
0x93: {  	[tilespmem:$0x1FE40] =	vst v1;
	v1 =	vadd.f32 v46, v2;
	v2 =	vadd.f32 v45, v31;
	v31 =	vld.idx.msk [tilespmem:v18+s10+$0x0], $0xffff  }
0x94: {  	v18 =	vld [tilespmem:$0x1FF90]  }
0x95: {  	v4 =	vld.idx.msk [tilespmem:v4+s10+$0x0], $0xffff;
	v30 =	vadd.s32 v0, v21  }
0x96: {  	v12 =	vld.idx.msk [tilespmem:v12+s10+$0x0], $0xffff;
	v11 =	vadd.s32 v0, v25  }
0x97: {  	v14 =	vmul.f32 v14, v42;
	v13 =	vmul.f32 v13, v39;
	[tilespmem:$0x1FE30] =	vst v1;
	v1 =	vadd.f32 v38, v28  }
0x98: {  	v61 =	vld.idx.msk [tilespmem:v56+s10+$0x0], $0xffff  }
0x99: {  	v15 =	vmul.f32 v15, v40;
	v1 =	vadd.f32 v14, v1;
	v13 =	vadd.f32 v13, v18;
	v18 =	vld [tilespmem:$0x1FFA0]  }
0x9a: {  	v30 =	vld.idx.msk [tilespmem:v30+s10+$0x0], $0xffff  }
0x9b: {  	v10 =	vmul.f32 v10, v33;
	v2 =	vadd.f32 v62, v2;
	v1 =	vadd.f32 v15, v1;
	v15 =	vld [tilespmem:$0x1FF30]  }
0x9c: {  	v12 =	vmul.f32 v12, v39;
	v11 =	vld.idx.msk [tilespmem:v11+s10+$0x0], $0xffff  }
0x9d: {  	v5 =	vmul.f32 v5, v16;
	v2 =	vadd.f32 v10, v2  }
0x9e: {  	v4 =	vmul.f32 v4, v36;
	v34 =	vmul.f32 v34, v36;
	v12 =	vadd.f32 v12, v18;
	v18 =	vld [tilespmem:$0x1FF60]  }
0x9f: {  	v53 =	vld.idx.msk [tilespmem:v53+s10+$0x0], $0xffff;
	v14 =	vmul.f32 v61, v33;
	v2 =	vadd.f32 v5, v2  }
0xa0: {  	v5 =	vld [tilespmem:$0x1FF20];
	v4 =	vadd.f32 v4, v13;
	v13 =	vmul.f32 v30, v33;
	v12 =	vadd.f32 v34, v12  }
0xa1: {  	v3 =	vmul.f32 v3, v44;
	v19 =	vld.idx.msk [tilespmem:v19+s10+$0x0], $0xffff;
	v11 =	vmul.f32 v11, v16  }
0xa2: {  	v10 =	vmul.f32 v63, v16;
	v4 =	vadd.f32 v14, v4;
	v12 =	vadd.f32 v13, v12;
	v13 =	vld [tilespmem:$0x1FF50]  }
0xa3: {  	v9 =	vmul.f32 v59, v41;
	v1 =	vadd.f32 v3, v1;
	v15 =	vld.idx.msk [tilespmem:v15+s10+$0x0], $0xffff  }
0xa4: {  	v25 =	vmul.f32 v53, v26;
	v4 =	vadd.f32 v10, v4;
	v10 =	vadd.f32 v11, v12;
	v12 =	vld [tilespmem:$0x1FF40]  }
0xa5: {  	v58 =	vmul.f32 v49, v43;
	v1 =	vadd.f32 v9, v1  }
0xa6: {  	v60 =	vmul.f32 v51, v29;
	v3 =	vmul.f32 v31, v26;
	v2 =	vadd.f32 v25, v2;
	v24 =	vld.idx.msk [tilespmem:v18+s10+$0x0], $0xffff  }
0xa7: {  	v30 =	vld.idx.msk [tilespmem:v47+s10+$0x0], $0xffff;
	v1 =	vadd.f32 v58, v1;
	v11 =	vmul.f32 v19, v26  }
0xa8: {  	v54 =	vmul.f32 v54, v23;
	v2 =	vadd.f32 v60, v2;
	v5 =	vld.idx.msk [tilespmem:v5+s10+$0x0], $0xffff;
	v3 =	vadd.f32 v3, v4  }
0xa9: {  	v1 =	vadd.f32 v32, v1;
	v4 =	vadd.f32 v11, v10;
	v11 =	vmul.f32 v15, v23;
	v15 =	vld [tilespmem:$0x1FE80]  }
0xaa: {  	v13 =	vld.idx.msk [tilespmem:v13+s10+$0x0], $0xffff  }
0xab: {  	v2 =	vadd.f32 v54, v2;
	v1 =	vadd.f32 v20, v1;
	v9 =	vmul.f32 v24, v29  }
0xac: {  	v10 =	vmul.f32 v30, v29;
	v12 =	vld.idx.msk [tilespmem:v12+s10+$0x0], $0xffff  }
0xad: {  	v7 =	vadd.s32 $0x30, v7;
	[tilespmem:$0x1FE20] =	vst v1;
	v1 =	vadd.f32 v6, v2;
	v3 =	vadd.f32 v9, v3  }
0xae: {  	v5 =	vmul.f32 v5, v17;
	v4 =	vadd.f32 v10, v4;
	v15 =	vadd.s32 $0x30, v15  }
0xaf: {  	v6 =	vand.u32 $0x70, v15;
	v9 =	vmul.f32 v13, v23;
	v3 =	vadd.f32 v11, v3  }
0xb0: {  	[tilespmem:$0x1FC70] =	vst v6;
	v6 =	vand.u32 $0x7F, v7  }
0xb1: {  	[tilespmem:$0x1FE70] =	vst v1;
	v4 =	vadd.f32 v9, v4;
	v9 =	vmul.f32 v12, v17;
	v1 =	vadd.f32 v5, v3  }
0xb2: {  	v8 =	vadd.s32 $0x30, v8;
	[tilespmem:$0x1FC80] =	vst v6  }
0xb3: {  	v6 =	vand.u32 $0x7E, v8;
	[tilespmem:$0x1FF90] =	vst v1;
	v1 =	vadd.f32 v9, v4  }
0xb4: {  	[tilespmem:$0x1FC90] =	vst v6  }
0xb5: {  	v6 =	vshll.u32 v8, $0x3;
	[tilespmem:$0x1FFA0] =	vst v1;
	v1 =	vadd.s32 $0x2A, v15  }
0xb6: {  	[tilespmem:$0x1FC40] =	vst v6;
	v6 =	vand.u32 $0x7A, v1  }
0xb7: {  	v2 =	vadd.s32 $0x2A, v7;
	v1 =	vshll.u32 v1, $0x3;
	[tilespmem:$0x1FCA0] =	vst v6  }
0xb8: {  	v5 =	vadd.s32 $0x2D, v7;
	v6 =	vand.u32 $0x7F, v2;
	[tilespmem:$0x1FC50] =	vst v1  }
0xb9: {  	v3 =	vadd.s32 $0x2A, v8;
	v1 =	vand.u32 $0x7F, v5;
	[tilespmem:$0x1FCB0] =	vst v6  }
0xba: {  	v11 =	vadd.s32 $0x2D, v8;
	v6 =	vand.u32 $0x7E, v3;
	[tilespmem:$0x1FCF0] =	vst v1  }
0xbb: {  	v4 =	vadd.s32 $0x2D, v15;
	v1 =	vand.u32 $0x7F, v11;
	[tilespmem:$0x1FCC0] =	vst v6  }
0xbc: {  	v9 =	vadd.s32 $0x24, v15;
	v6 =	vand.u32 $0x7D, v4;
	[tilespmem:$0x1FD00] =	vst v1  }
0xbd: {  	v10 =	vadd.s32 $0x24, v7;
	v1 =	vand.u32 $0x74, v9;
	[tilespmem:$0x1FCD0] =	vst v6  }
0xbe: {  	v12 =	vadd.s32 $0x24, v8;
	[tilespmem:$0x1FCE0] =	vst v1;
	v1 =	vand.u32 $0x7F, v10  }
0xbf: {  	v13 =	vadd.s32 $0x27, v15;
	[tilespmem:$0x1FD10] =	vst v1;
	v1 =	vand.u32 $0x7E, v12  }
0xc0: {  	v14 =	vadd.s32 $0x27, v7;
	[tilespmem:$0x1FD20] =	vst v1;
	v1 =	vand.u32 $0x77, v13  }
0xc1: {  	v31 =	vadd.s32 $0x27, v8;
	[tilespmem:$0x1FD30] =	vst v1;
	v1 =	vand.u32 $0x7F, v14  }
0xc2: {  	v34 =	vadd.s32 $0x1E, v15;
	[tilespmem:$0x1FD50] =	vst v1;
	v1 =	vand.u32 $0x7F, v31  }
0xc3: {  	v22 =	vadd.s32 $0x3, v7;
	v37 =	vadd.s32 $0x1E, v8;
	[tilespmem:$0x1FD60] =	vst v1;
	v1 =	vand.u32 $0x7E, v34  }
0xc4: {  	v49 =	vadd.s32 $0x1B, v8;
	v36 =	vadd.s32 $0x1E, v7;
	[tilespmem:$0x1FD40] =	vst v1;
	v1 =	vshll.u32 v31, $0x3  }
0xc5: {  	v40 =	vadd.s32 $0x21, v8;
	v39 =	vadd.s32 $0x21, v7;
	[tilespmem:$0x1FC60] =	vst v1;
	v1 =	vand.u32 $0x7F, v36  }
0xc6: {  	v38 =	vadd.s32 $0x21, v15;
	v17 =	vshll.u32 v36, $0x3;
	[tilespmem:$0x1FD70] =	vst v1;
	v1 =	vand.u32 $0x7E, v37  }
0xc7: {  	v6 =	vshll.u32 v22, $0x3;
	v36 =	vand.u32 $0x7F, v22;
	v22 =	vld [tilespmem:$0x1FC70];
	[tilespmem:$0x1FD80] =	vst v1;
	v1 =	vand.u32 $0x71, v38  }
0xc8: {  	v59 =	vadd.s32 $0xF, v8;
	v42 =	vadd.s32 $0x18, v7;
	[tilespmem:$0x1FD90] =	vst v1;
	v1 =	vand.u32 $0x7F, v39  }
0xc9: {  	v57 =	vadd.s32 $0x15, v8;
	v41 =	vadd.s32 $0x18, v15;
	[tilespmem:$0x1FDB0] =	vst v1;
	v1 =	vand.u32 $0x7F, v40  }
0xca: {  	v48 =	vadd.s32 $0x12, v7;
	v16 =	vshll.u32 v15, $0x3;
	[tilespmem:$0x1FDC0] =	vst v1;
	v1 =	vand.u32 $0x78, v41  }
0xcb: {  	v45 =	vadd.s32 $0x1B, v15;
	v16 =	vand.u32 $0xFFFFFC00, v16;
	[tilespmem:$0x1FDA0] =	vst v1;
	v1 =	vand.u32 $0x7F, v42  }
0xcc: {  	v28 =	vshll.u32 v7, $0x3;
	v16 =	vor.u32 v22, v16;
	v22 =	vld [tilespmem:$0x1FC80];
	[tilespmem:$0x1FDD0] =	vst v1;
	v1 =	vand.u32 $0x7B, v45  }
0xcd: {  	v26 =	vshll.u32 v10, $0x3;
	v35 =	vshll.u32 v5, $0x3;
	[tilespmem:$0x1FDE0] =	vst v1;
	v1 =	vand.u32 $0x7F, v49  }
0xce: {  	v5 =	vshll.u32 v14, $0x3;
	v10 =	vshll.u32 v48, $0x3;
	[tilespmem:$0x1FDF0] =	vst v1;
	v1 =	vand.u32 $0x7F, v57  }
0xcf: {  	v14 =	vshll.u32 v45, $0x3;
	v45 =	vand.u32 $0x7F, v48;
	v48 =	vld [tilespmem:$0x1FD30];
	[tilespmem:$0x1FE00] =	vst v1;
	v1 =	vand.u32 $0x7F, v59  }
0xd0: {  	v28 =	vand.u32 $0xFFFFFC00, v28;
	[tilespmem:$0x1FE10] =	vst v1;
	v1 =	vld [tilespmem:$0x1FC40]  }
0xd1: {  	v28 =	vor.u32 v22, v28;
	v22 =	vld [tilespmem:$0x1FC90]  }
0xd2: {  	v53 =	vshll.u32 v3, $0x3;
	v3 =	vshll.u32 v13, $0x3  }
0xd3: {  	v3 =	vand.u32 $0xFFFFFC00, v3  }
0xd4: {  	v3 =	vor.u32 v48, v3;
	v48 =	vld [tilespmem:$0x1FD40]  }
0xd5: {  	v33 =	vshll.u32 v9, $0x3;
	v9 =	vand.u32 $0xFFFFFC00, v1;
	v1 =	vld [tilespmem:$0x1FC50]  }
0xd6: {  	v9 =	vor.u32 v22, v9;
	v22 =	vld [tilespmem:$0x1FCA0];
	_ =	sdelay $0x1  }
0xd7: {  	v30 =	vshll.u32 v34, $0x3  }
0xd8: {  	v30 =	vand.u32 $0xFFFFFC00, v30  }
0xd9: {  	v50 =	vshll.u32 v4, $0x3;
	v30 =	vor.u32 v48, v30;
	v48 =	vld [tilespmem:$0x1FD50];
	v4 =	vand.u32 $0xFFFFFC00, v1  }
0xda: {  	v4 =	vor.u32 v22, v4;
	v22 =	vld [tilespmem:$0x1FCB0];
	_ =	sdelay $0x1  }
0xdb: {  	v44 =	vshll.u32 v2, $0x3;
	v2 =	vshll.u32 v11, $0x3  }
0xdc: {  	v5 =	vand.u32 $0xFFFFFC00, v5;
	v1 =	vand.u32 $0xFFFFFC00, v2;
	v2 =	vld [tilespmem:$0x1FC60]  }
0xdd: {  	v44 =	vand.u32 $0xFFFFFC00, v44;
	v5 =	vor.u32 v48, v5;
	v48 =	vld [tilespmem:$0x1FD60]  }
0xde: {  	v44 =	vor.u32 v22, v44;
	v22 =	vld [tilespmem:$0x1FCC0];
	_ =	sdelay $0x2  }
0xdf: {  	v56 =	vadd.s32 $0xC, v8;
	v2 =	vand.u32 $0xFFFFFC00, v2  }
0xe0: {  	v51 =	vadd.s32 $0x12, v8;
	v53 =	vand.u32 $0xFFFFFC00, v53;
	v2 =	vor.u32 v48, v2;
	v48 =	vld [tilespmem:$0x1FD70]  }
0xe1: {  	v27 =	vshll.u32 v51, $0x3;
	v43 =	vadd.s32 $0x18, v8;
	v53 =	vor.u32 v22, v53;
	v22 =	vld [tilespmem:$0x1FCD0]  }
0xe2: {  	v27 =	vand.u32 $0xFFFFFC00, v27;
	v55 =	vadd.s32 $0xC, v7;
	v21 =	vshll.u32 v39, $0x3  }
0xe3: {  	v21 =	vand.u32 $0xFFFFFC00, v21;
	v46 =	vadd.s32 $0x1B, v7;
	v62 =	vadd.s32 $0x9, v7  }
0xe4: {  	v61 =	vadd.s32 $0x6, v8;
	v63 =	vadd.s32 $0x9, v8;
	v17 =	vand.u32 $0xFFFFFC00, v17  }
0xe5: {  	v25 =	vshll.u32 v37, $0x3;
	v50 =	vand.u32 $0xFFFFFC00, v50;
	v17 =	vor.u32 v48, v17;
	v48 =	vld [tilespmem:$0x1FD80]  }
0xe6: {  	v25 =	vand.u32 $0xFFFFFC00, v25;
	v60 =	vadd.s32 $0x6, v7;
	v50 =	vor.u32 v22, v50;
	v22 =	vld [tilespmem:$0x1FCE0]  }
0xe7: {  	v54 =	vadd.s32 $0x15, v7;
	v20 =	vshll.u32 v59, $0x3;
	v18 =	vshll.u32 v60, $0x3  }
0xe8: {  	v58 =	vadd.s32 $0xF, v7;
	v20 =	vand.u32 $0xFFFFFC00, v20;
	v18 =	vand.u32 $0xFFFFFC00, v18  }
0xe9: {  	v26 =	vand.u32 $0xFFFFFC00, v26;
	v24 =	vadd.s32 $0x3, v8;
	v47 =	vadd.s32 $0x12, v15  }
0xea: {  	v52 =	vadd.s32 $0x15, v15;
	v33 =	vand.u32 $0xFFFFFC00, v33;
	v25 =	vor.u32 v48, v25;
	v48 =	vld [tilespmem:$0x1FD90]  }
0xeb: {  	v19 =	vshll.u32 v41, $0x3;
	v29 =	vshll.u32 v52, $0x3;
	v33 =	vor.u32 v22, v33;
	v22 =	vld [tilespmem:$0x1FCF0]  }
0xec: {  	v19 =	vand.u32 $0xFFFFFC00, v19;
	v29 =	vand.u32 $0xFFFFFC00, v29;
	v23 =	vshll.u32 v54, $0x3  }
0xed: {  	v23 =	vand.u32 $0xFFFFFC00, v23;
	v32 =	vshll.u32 v12, $0x3;
	v31 =	vshll.u32 v38, $0x3  }
0xee: {  	v35 =	vand.u32 $0xFFFFFC00, v35;
	v32 =	vand.u32 $0xFFFFFC00, v32;
	v31 =	vand.u32 $0xFFFFFC00, v31  }
0xef: {  	[tilespmem:$0x1FE80] =	vst v15;
	v15 =	vshll.u32 v43, $0x3;
	v11 =	vshll.u32 v47, $0x3;
	v31 =	vor.u32 v48, v31;
	v48 =	vld [tilespmem:$0x1FDA0]  }
0xf0: {  	v15 =	vand.u32 $0xFFFFFC00, v15;
	v11 =	vand.u32 $0xFFFFFC00, v11;
	v35 =	vor.u32 v22, v35;
	v22 =	vld [tilespmem:$0x1FD00]  }
0xf1: {  	v12 =	vshll.u32 v42, $0x3;
	v10 =	vand.u32 $0xFFFFFC00, v10;
	v6 =	vand.u32 $0xFFFFFC00, v6  }
0xf2: {  	v13 =	vshll.u32 v46, $0x3;
	v34 =	vshll.u32 v40, $0x3;
	v40 =	vand.u32 $0x7E, v43  }
0xf3: {  	v12 =	vand.u32 $0xFFFFFC00, v12;
	v15 =	vor.u32 v40, v15;
	v40 =	vld [tilespmem:$0x1FDE0];
	v28 =	vadd.s32 v0, v28  }
0xf4: {  	v13 =	vand.u32 $0xFFFFFC00, v13;
	v14 =	vand.u32 $0xFFFFFC00, v14;
	v19 =	vor.u32 v48, v19;
	v48 =	vld [tilespmem:$0x1FDB0]  }
0xf5: {  	v34 =	vand.u32 $0xFFFFFC00, v34;
	v37 =	vand.u32 $0x7F, v55;
	v22 =	vor.u32 v22, v1;
	v1 =	vld [tilespmem:$0x1FD10]  }
0xf6: {  	v55 =	vshll.u32 v55, $0x3;
	v38 =	vand.u32 $0x7F, v46;
	v9 =	vadd.s32 v0, v9  }
0xf7: {  	v46 =	vand.u32 $0x7E, v51;
	v51 =	vand.u32 $0x7E, v56;
	v55 =	vand.u32 $0xFFFFFC00, v55  }
0xf8: {  	v56 =	vshll.u32 v56, $0x3;
	v14 =	vor.u32 v40, v14;
	v40 =	vor.u32 v37, v55;
	v55 =	vld.idx.msk [tilespmem:v28+s10+$0x0], $0xffff  }
0xf9: {  	v39 =	vand.u32 $0x72, v47;
	v47 =	vand.u32 $0x7F, v54;
	v21 =	vor.u32 v48, v21;
	v48 =	vld [tilespmem:$0x1FDC0]  }
0xfa: {  	v54 =	vand.u32 $0x7F, v60;
	v60 =	vand.u32 $0x7F, v63;
	v26 =	vor.u32 v1, v26;
	v1 =	vld [tilespmem:$0x1FD20]  }
0xfb: {  	v63 =	vshll.u32 v63, $0x3;
	v56 =	vand.u32 $0xFFFFFC00, v56;
	v3 =	vadd.s32 v0, v3;
	v28 =	vld.idx.msk [tilespmem:v9+s10+$0x0], $0xffff  }
0xfc: {  	v13 =	vor.u32 v38, v13;
	v27 =	vor.u32 v46, v27;
	v9 =	vor.u32 v54, v18;
	v18 =	vld [tilespmem:$0x1FE10]  }
0xfd: {  	v43 =	vand.u32 $0x75, v52;
	v52 =	vand.u32 $0x7F, v58;
	v4 =	vadd.s32 v0, v4  }
0xfe: {  	v11 =	vor.u32 v39, v11;
	v46 =	vor.u32 v47, v23;
	v23 =	vld [tilespmem:$0x1FE00];
	v17 =	vadd.s32 v0, v17  }
0xff: {  	v39 =	vor.u32 v43, v29;
	v1 =	vor.u32 v1, v32;
	v32 =	vor.u32 v48, v34;
	v48 =	vld [tilespmem:$0x1FDD0]  }
0x100: {  	s17 =	sshra.s32 s16, $0x2;
	v10 =	vor.u32 v45, v10;
	v54 =	vld.idx.msk [tilespmem:v3+s10+$0x0], $0xffff;
	v2 =	vadd.s32 v0, v2;
	v29 =	vadd.s32 v0, v53  }
0x101: {  	v45 =	vld [tilespmem:s17+$0x0];
	v18 =	vor.u32 v18, v20;
	[tilespmem:$0x1FF50] =	vst v2;
	v2 =	vadd.s32 v0, v25;
	v25 =	vadd.s32 v0, v31  }
0x102: {  	v56 =	vor.u32 v51, v56;
	v57 =	vshll.u32 v57, $0x3;
	v4 =	vld.idx.msk [tilespmem:v4+s10+$0x0], $0xffff;
	[tilespmem:$0x1FE60] =	vst v18;
	v18 =	vadd.s32 v0, v50  }
0x103: {  	v57 =	vand.u32 $0xFFFFFC00, v57;
	v5 =	vadd.s32 v0, v5;
	v50 =	vld.idx.msk [tilespmem:v17+s10+$0x0], $0xffff;
	v26 =	vadd.s32 v0, v26  }
0x104: {  	v47 =	vor.u32 v23, v57;
	v57 =	vor.u32 v36, v6;
	[tilespmem:$0x1FF30] =	vst v5;
	v12 =	vor.u32 v48, v12;
	v48 =	vld [tilespmem:$0x1FDF0]  }
0x105: {  	v58 =	vshll.u32 v58, $0x3;
	v6 =	vadd.s32 v0, v35;
	v35 =	vld.idx.msk [tilespmem:v29+s10+$0x0], $0xffff;
	[tilespmem:$0x1FE90] =	vst v32;
	v32 =	vadd.s32 v0, v16  }
0x106: {  	v49 =	vshll.u32 v49, $0x3;
	v51 =	vld.idx.msk [tilespmem:v25+s10+$0x0], $0xffff;
	[tilespmem:$0x1FF20] =	vst v6;
	v5 =	vadd.s32 v0, v22;
	v1 =	vadd.s32 v0, v1  }
0x107: {  	v63 =	vand.u32 $0xFFFFFC00, v63;
	v49 =	vand.u32 $0xFFFFFC00, v49;
	[tilespmem:$0x1FF40] =	vst v5;
	v5 =	vadd.s32 v0, v30;
	v30 =	vld.idx.msk [tilespmem:v18+s10+$0x0], $0xffff  }
0x108: {  	v6 =	vadd.s32 v0, v21;
	v21 =	vadd.s32 v0, v15;
	v15 =	vld.idx.msk [tilespmem:v26+s10+$0x0], $0xffff;
	v12 =	vadd.s32 v0, v12  }
0x109: {  	v18 =	vadd.s32 v0, v10;
	v10 =	vadd.s32 v0, v9;
	v34 =	vor.u32 v48, v49;
	v49 =	vld [tilespmem:$0x1FFB0]  }
0x10a: {  	v41 =	vand.u32 $0x7F, v24;
	v24 =	vshll.u32 v24, $0x3;
	v17 =	vadd.s32 v0, v40;
	v38 =	vld.idx.msk [tilespmem:v32+s10+$0x0], $0xffff  }
0x10b: {  	v58 =	vand.u32 $0xFFFFFC00, v58;
	v11 =	vadd.s32 v0, v11;
	v42 =	vand.u32 $0x7E, v61;
	v31 =	vld.idx.msk [tilespmem:v1+s10+$0x0], $0xffff  }
0x10c: {  	v61 =	vshll.u32 v61, $0x3;
	v19 =	vadd.s32 v0, v19;
	v48 =	vor.u32 v52, v58;
	v52 =	vld.idx.msk [tilespmem:v5+s10+$0x0], $0xffff  }
0x10d: {  	v59 =	vand.u32 $0x7F, v62;
	v62 =	vshll.u32 v62, $0x3;
	v1 =	vor.u32 $0x6, v32;
	v58 =	vld.idx.msk [tilespmem:v12+s10+$0x0], $0xffff  }
0x10e: {  	v24 =	vand.u32 $0xFFFFFC00, v24;
	v62 =	vand.u32 $0xFFFFFC00, v62;
	v12 =	vld.idx.msk [tilespmem:v10+s10+$0x0], $0xffff;
	v16 =	vadd.s32 v49, v16  }
0x10f: {  	v43 =	vbroadcast v45, $0xA;
	v37 =	vor.u32 v41, v24;
	v24 =	vbroadcast v45, $0xD;
	v10 =	vld.idx.msk [tilespmem:v17+s10+$0x0], $0xffff  }
0x110: {  	v41 =	vbroadcast v45, $0x8;
	[tilespmem:$0x1FF60] =	vst v6;
	v6 =	vadd.s32 v0, v13;
	v13 =	vor.u32 $0xC, v32;
	v49 =	vld.idx.msk [tilespmem:v2+s10+$0x0], $0xffff  }
0x111: {  	v36 =	vbroadcast v45, $0x3;
	v3 =	vadd.s32 v0, v27;
	v27 =	vbroadcast v45, $0xC;
	v2 =	vld.idx.msk [tilespmem:v19+s10+$0x0], $0xffff  }
0x112: {  	v23 =	vadd.s32 v0, v44;
	v53 =	vadd.s32 v0, v14;
	v14 =	vbroadcast v45, $0x0;
	v19 =	vld.idx.msk [tilespmem:v1+s10+$0x0], $0xffff  }
0x113: {  	v44 =	vbroadcast v45, $0x6;
	v40 =	vbroadcast v45, $0x4;
	v20 =	vld.idx.msk [tilespmem:v16+s10+$0x0], $0xffff;
	v16 =	vor.u32 v59, v62  }
0x114: {  	v1 =	vmul.f32 v14, v38;
	v38 =	vmul.f32 v28, v14;
	v28 =	vld [tilespmem:$0x1FE20];
	[tilespmem:$0x1FE50] =	vst v16;
	v16 =	vadd.s32 v0, v33  }
0x115: {  	v61 =	vand.u32 $0xFFFFFC00, v61;
	v29 =	vbroadcast v45, $0xB;
	v9 =	vmul.f32 v55, v14;
	v14 =	vld.idx.msk [tilespmem:v13+s10+$0x0], $0xffff  }
0x116: {  	v25 =	vmovc v47;
	v47 =	vadd.s32 v0, v46;
	[tilespmem:$0x1FF70] =	vst v6;
	v6 =	vbroadcast v45, $0xE;
	v26 =	vbroadcast v45, $0x9;
	v13 =	vld.idx.msk [tilespmem:v11+s10+$0x0], $0xffff  }
0x117: {  	v55 =	vmul.f32 v15, v27;
	v5 =	vadd.s32 v0, v39;
	v59 =	vor.u32 v60, v63;
	v60 =	vld.idx.msk [tilespmem:v23+s10+$0x0], $0xffff  }
0x118: {  	v39 =	vbroadcast v45, $0x1;
	[tilespmem:$0x1FED0] =	vst v34;
	v34 =	vor.u32 v42, v61;
	v42 =	vbroadcast v45, $0x2;
	v11 =	vld.idx.msk [tilespmem:v18+s10+$0x0], $0xffff  }
0x119: {  	v61 =	vadd.s32 v0, v56;
	v56 =	vadd.s32 v0, v48;
	v48 =	vmul.f32 v4, v6;
	v22 =	vld.idx.msk [tilespmem:v16+s10+$0x0], $0xffff  }
0x11a: {  	p0 =	sne.s32 s16, $0x7C0;
	v23 =	vbroadcast v45, $0xF;
	v63 =	vadd.s32 v0, v34;
	v34 =	vmul.f32 v35, v6;
	v4 =	vld [tilespmem:$0x1FE50]  }
.Ltmp0:
0x11b: {  	v62 =	vor.u32 $0xF, v32;
	v15 =	vmul.f32 v19, v42;
	v19 =	vld [tilespmem:$0x1FE40];
	v33 =	vbroadcast v45, $0x5;
	(pc) =	sbr.rel @p0 .LBB2_2-.Ltmp0, $4  }
0x11c: {  	v46 =	vmul.f32 v60, v6;
	v60 =	vor.u32 $0x9, v32;
	v32 =	vmul.f32 v31, v27;
	v31 =	vld [tilespmem:$0x1FE70]  }
0x11d: {  	v16 =	vbroadcast v45, $0x7;
	v45 =	vmul.f32 v20, v39;
	v20 =	vld [tilespmem:$0x1FE30]  }
0x11e: {  	v6 =	vmul.f32 v30, v23;
	v30 =	vmovc v57;
	v57 =	vmul.f32 v22, v27;
	v22 =	vmov v59;
	v59 =	vld.idx.msk [tilespmem:v21+s10+$0x0], $0xffff  }
0x11f: {  	s16 =	sadd.s32 $0x40, s16;
	v17 =	vmovc v23;
	v23 =	vmov v24;
	v24 =	vmov v37;
	v4 =	vadd.s32 v0, v4;
	v21 =	vld [tilespmem:$0x1FE60]  }
0x120: {  	_ =	sdelay $0x3  }
0x121: {  	v8 =	vmul.f32 v12, v42;
	v12 =	vadd.s32 v0, v30;
	v3 =	vld.idx.msk [tilespmem:v3+s10+$0x0], $0xffff  }
0x122: {  	v1 =	vadd.f32 v1, v19;
	v5 =	vld.idx.msk [tilespmem:v5+s10+$0x0], $0xffff  }
0x123: {  	v19 =	vld.idx.msk [tilespmem:v62+s10+$0x0], $0xffff;
	v7 =	vadd.f32 v9, v20  }
0x124: {  	v14 =	vmul.f32 v14, v40;
	v4 =	vld.idx.msk [tilespmem:v4+s10+$0x0], $0xffff;
	v1 =	vadd.f32 v15, v1  }
0x125: {  	v27 =	vld [tilespmem:$0x1FE90];
	v7 =	vadd.f32 v8, v7;
	v8 =	vmul.f32 v10, v40  }
0x126: {  	v13 =	vmul.f32 v13, v44;
	v1 =	vadd.f32 v14, v1;
	v12 =	vld.idx.msk [tilespmem:v12+s10+$0x0], $0xffff  }
0x127: {  	v18 =	vmul.f32 v52, v43;
	v30 =	vld [tilespmem:$0x1FF90];
	v7 =	vadd.f32 v8, v7;
	v8 =	vmul.f32 v11, v44  }
0x128: {  	v2 =	vmul.f32 v2, v41;
	v25 =	vadd.s32 v0, v25;
	v9 =	vld.idx.msk [tilespmem:v53+s10+$0x0], $0xffff;
	v1 =	vadd.f32 v13, v1  }
0x129: {  	v10 =	vadd.s32 v0, v24;
	v14 =	vld.idx.msk [tilespmem:v61+s10+$0x0], $0xffff;
	v7 =	vadd.f32 v8, v7;
	v8 =	vmul.f32 v58, v41  }
0x12a: {  	v15 =	vmul.f32 v54, v23;
	v11 =	vadd.s32 v0, v22;
	v13 =	vld.idx.msk [tilespmem:v63+s10+$0x0], $0xffff;
	v1 =	vadd.f32 v2, v1  }
0x12b: {  	v20 =	vmul.f32 v50, v43;
	v2 =	vld.idx.msk [tilespmem:v60+s10+$0x0], $0xffff;
	v7 =	vadd.f32 v8, v7;
	v12 =	vmul.f32 v12, v39  }
0x12c: {  	v50 =	vimm.s32 $0x0;
	v1 =	vadd.f32 v18, v1;
	v18 =	vmul.f32 v19, v33;
	v19 =	vld [tilespmem:$0x1FED0]  }
0x12d: {  	v21 =	vadd.s32 v0, v21;
	v7 =	vadd.f32 v20, v7;
	v12 =	vadd.f32 v12, v30;
	v30 =	vld [tilespmem:$0x1FF70]  }
0x12e: {  	v24 =	vmul.f32 v51, v29;
	v4 =	vmul.f32 v4, v36;
	v10 =	vld.idx.msk [tilespmem:v10+s10+$0x0], $0xffff;
	v1 =	vadd.f32 v57, v1  }
0x12f: {  	v3 =	vmul.f32 v3, v44;
	v5 =	vmul.f32 v5, v16;
	v11 =	vld.idx.msk [tilespmem:v11+s10+$0x0], $0xffff;
	v7 =	vadd.f32 v55, v7  }
0x130: {  	v27 =	vadd.s32 v0, v27;
	v1 =	vadd.f32 v48, v1;
	v4 =	vadd.f32 v4, v12;
	v12 =	vld [tilespmem:$0x1FF60]  }
0x131: {  	v22 =	vmul.f32 v49, v43;
	v20 =	vld.idx.msk [tilespmem:v56+s10+$0x0], $0xffff;
	v19 =	vadd.s32 v0, v19;
	v7 =	vadd.f32 v46, v7  }
0x132: {  	v37 =	vadd.s32 $0x21, v50;
	v9 =	vmul.f32 v9, v26;
	v13 =	vmul.f32 v13, v42;
	[tilespmem:$0x1FB40] =	vst v1;
	v1 =	vld.idx.msk [tilespmem:v47+s10+$0x0], $0xffff  }
0x133: {  	v2 =	vmul.f32 v2, v36;
	[tilespmem:$0x1FB50] =	vst v7;
	v7 =	vadd.f32 v38, v28;
	v28 =	vadd.f32 v45, v31;
	v31 =	vld [tilespmem:$0x1FFA0]  }
0x134: {  	v43 =	vadd.s32 $0x1B, v50;
	v14 =	vmul.f32 v14, v40;
	v21 =	vld.idx.msk [tilespmem:v21+s10+$0x0], $0xffff;
	v8 =	vmul.f32 v59, v41  }
0x135: {  	v10 =	vmul.f32 v10, v39;
	v30 =	vld.idx.msk [tilespmem:v30+s10+$0x0], $0xffff;
	v7 =	vadd.f32 v13, v7;
	v2 =	vadd.f32 v2, v28  }
0x136: {  	v49 =	vadd.s32 $0x15, v50;
	v11 =	vmul.f32 v11, v36;
	v13 =	vld.idx.msk [tilespmem:v19+s10+$0x0], $0xffff;
	v19 =	vmul.f32 v20, v33  }
0x137: {  	v25 =	vld.idx.msk [tilespmem:v25+s10+$0x0], $0xffff;
	v46 =	vadd.s32 $0x18, v50;
	v7 =	vadd.f32 v14, v7;
	v2 =	vadd.f32 v18, v2  }
0x138: {  	v1 =	vmul.f32 v1, v16;
	v12 =	vld.idx.msk [tilespmem:v12+s10+$0x0], $0xffff;
	v4 =	vadd.f32 v19, v4;
	v10 =	vadd.f32 v10, v31  }
0x139: {  	v45 =	vadd.s32 $0x12, v50;
	v3 =	vadd.f32 v3, v7;
	v2 =	vadd.f32 v5, v2  }
0x13a: {  	v1 =	vadd.f32 v1, v4;
	v10 =	vadd.f32 v11, v10;
	v11 =	vmul.f32 v21, v33  }
0x13b: {  	v5 =	vmul.f32 v30, v26;
	v21 =	vadd.s32 $0x1E, v50;
	v3 =	vadd.f32 v8, v3  }
0x13c: {  	v2 =	vadd.f32 v9, v2;
	v10 =	vadd.f32 v11, v10;
	v11 =	vmul.f32 v25, v16  }
0x13d: {  	v9 =	vmul.f32 v12, v29;
	v1 =	vadd.f32 v5, v1;
	v3 =	vadd.f32 v22, v3  }
0x13e: {  	v2 =	vadd.f32 v24, v2;
	v10 =	vadd.f32 v11, v10;
	v11 =	vmul.f32 v13, v26  }
0x13f: {  	v1 =	vadd.f32 v9, v1;
	v13 =	vimm.s32 $0x1;
	v26 =	vshll.u32 v50, $0x3  }
0x140: {  	v14 =	vld.idx.msk [tilespmem:v27+s10+$0x0], $0xffff;
	v3 =	vadd.f32 v32, v3;
	v2 =	vadd.f32 v15, v2;
	v35 =	vadd.s32 $0x1E, v13  }
0x141: {  	v38 =	vadd.s32 $0x21, v13;
	v40 =	vadd.s32 $0x18, v13;
	v44 =	vadd.s32 $0x1B, v13  }
0x142: {  	v39 =	vadd.s32 $0x15, v13;
	v31 =	vadd.s32 $0xC, v13;
	v15 =	vand.u32 $0x70, v50  }
0x143: {  	v27 =	vand.u32 $0x7F, v13;
	v12 =	vadd.s32 $0x6, v13;
	v28 =	vshll.u32 v13, $0x3  }
0x144: {  	v20 =	vadd.s32 $0x3, v13;
	v26 =	vand.u32 $0xFFFFFC00, v26;
	v5 =	vadd.f32 v11, v10  }
0x145: {  	v18 =	vld [tilespmem:$0x1FF30];
	v10 =	vmul.f32 v14, v29;
	v14 =	vimm.s32 $0x2;
	v29 =	vadd.s32 $0x12, v13  }
0x146: {  	v15 =	vor.u32 v15, v26;
	v26 =	vand.u32 $0xFFFFFC00, v28;
	v63 =	vand.u32 $0x7F, v35  }
0x147: {  	v35 =	vshll.u32 v35, $0x3;
	v3 =	vadd.f32 v34, v3;
	v2 =	vadd.f32 v6, v2  }
0x148: {  	v7 =	vld [tilespmem:$0x1FF50];
	v6 =	vadd.s32 $0x24, v50;
	v9 =	vadd.s32 $0x24, v14;
	v25 =	vadd.s32 $0x27, v14  }
0x149: {  	v4 =	vld [tilespmem:$0x1FF20];
	v36 =	vadd.s32 $0x1E, v14;
	v41 =	vadd.s32 $0x21, v14;
	v42 =	vadd.s32 $0x18, v14  }
0x14a: {  	v47 =	vadd.s32 $0x1B, v14;
	v48 =	vadd.s32 $0x12, v14;
	v33 =	vadd.s32 $0xC, v14  }
0x14b: {  	v51 =	vadd.s32 $0x15, v14;
	v34 =	vadd.s32 $0xF, v13;
	v22 =	vadd.s32 $0xF, v14  }
0x14c: {  	v24 =	vand.u32 $0x7E, v14;
	v19 =	vadd.s32 $0x6, v14;
	v16 =	vadd.s32 $0x3, v14  }
0x14d: {  	v18 =	vld.idx.msk [tilespmem:v18+s10+$0x0], $0xffff;
	v27 =	vor.u32 v27, v26;
	v35 =	vand.u32 $0xFFFFFC00, v35;
	v5 =	vadd.f32 v10, v5  }
0x14e: {  	v8 =	vld [tilespmem:$0x1FF40];
	v10 =	vadd.s32 $0x27, v50;
	v56 =	vand.u32 $0x74, v6;
	v58 =	vand.u32 $0x7E, v9  }
0x14f: {  	v6 =	vshll.u32 v6, $0x3;
	v61 =	vand.u32 $0x7F, v25;
	v9 =	vshll.u32 v9, $0x3;
	[tilespmem:$0x1FB60] =	vst v3  }
0x150: {  	v7 =	vld.idx.msk [tilespmem:v7+s10+$0x0], $0xffff;
	v62 =	vshll.u32 v25, $0x3;
	[tilespmem:$0x1FB70] =	vst v2;
	v2 =	vadd.s32 $0x2A, v13;
	v3 =	vadd.s32 $0x2A, v14  }
0x151: {  	v4 =	vld.idx.msk [tilespmem:v4+s10+$0x0], $0xffff;
	v59 =	vand.u32 $0x77, v10;
	v10 =	vshll.u32 v10, $0x3;
	v9 =	vand.u32 $0xFFFFFC00, v9  }
0x152: {  	v62 =	vand.u32 $0xFFFFFC00, v62;
	v11 =	vmul.f32 v18, v23;
	v18 =	vadd.s32 $0x9, v14  }
0x153: {  	v32 =	vand.u32 $0x7F, v2;
	v52 =	vand.u32 $0x7E, v3;
	v2 =	vshll.u32 v2, $0x3  }
0x154: {  	v3 =	vshll.u32 v3, $0x3;
	v9 =	vor.u32 v58, v9;
	v10 =	vand.u32 $0xFFFFFC00, v10  }
0x155: {  	v58 =	vand.u32 $0x7F, v29;
	v2 =	vand.u32 $0xFFFFFC00, v2;
	v59 =	vor.u32 v59, v10  }
0x156: {  	v8 =	vld.idx.msk [tilespmem:v8+s10+$0x0], $0xffff;
	v10 =	vand.u32 $0x7F, v39;
	v7 =	vmul.f32 v7, v23;
	v4 =	vmul.f32 v4, v17  }
0x157: {  	v1 =	vadd.f32 v11, v1;
	v11 =	vadd.s32 $0x27, v13;
	v23 =	vshll.u32 v14, $0x3  }
0x158: {  	v32 =	vor.u32 v32, v2;
	v2 =	vand.u32 $0xFFFFFC00, v3;
	v3 =	vand.u32 $0x7E, v36  }
0x159: {  	v36 =	vshll.u32 v36, $0x3;
	v28 =	vand.u32 $0xFFFFFC00, v23;
	v60 =	vand.u32 $0x7F, v11  }
0x15a: {  	v11 =	vshll.u32 v11, $0x3;
	v36 =	vand.u32 $0xFFFFFC00, v36;
	v32 =	vadd.s32 v0, v32  }
0x15b: {  	v5 =	vadd.f32 v7, v5;
	v7 =	vmul.f32 v8, v17;
	v1 =	vadd.f32 v4, v1  }
0x15c: {  	v4 =	vadd.s32 $0x2D, v50;
	v8 =	vadd.s32 $0x2D, v14;
	v17 =	vadd.s32 $0x9, v13  }
0x15d: {  	v24 =	vor.u32 v24, v28;
	v28 =	vor.u32 v52, v2;
	v52 =	vand.u32 $0x7F, v40  }
0x15e: {  	v11 =	vand.u32 $0xFFFFFC00, v11;
	v40 =	vshll.u32 v40, $0x3;
	v3 =	vor.u32 v3, v36  }
0x15f: {  	v36 =	vand.u32 $0x7E, v48;
	v48 =	vshll.u32 v48, $0x3;
	v53 =	vand.u32 $0x7D, v4  }
0x160: {  	v55 =	vand.u32 $0x7F, v8;
	v4 =	vshll.u32 v4, $0x3;
	v8 =	vshll.u32 v8, $0x3  }
0x161: {  	v11 =	vor.u32 v60, v11;
	v40 =	vand.u32 $0xFFFFFC00, v40;
	v48 =	vand.u32 $0xFFFFFC00, v48  }
0x162: {  	v28 =	vadd.s32 v0, v28;
	v3 =	vadd.s32 v0, v3;
	[tilespmem:$0x1FB80] =	vst v1;
	v1 =	vadd.f32 v7, v5  }
0x163: {  	v5 =	vadd.s32 $0x2D, v13;
	v7 =	vadd.s32 $0x24, v13;
	v2 =	vand.u32 $0xFFFFFC00, v4  }
0x164: {  	v4 =	vand.u32 $0x71, v37;
	v40 =	vor.u32 v52, v40;
	v54 =	vand.u32 $0x7F, v5  }
0x165: {  	v5 =	vshll.u32 v5, $0x3;
	v57 =	vand.u32 $0x7F, v7;
	v7 =	vshll.u32 v7, $0x3  }
0x166: {  	v26 =	vor.u32 v53, v2;
	v2 =	vand.u32 $0xFFFFFC00, v6;
	v6 =	vshll.u32 v21, $0x3  }
0x167: {  	v53 =	vand.u32 $0x7E, v42;
	v42 =	vshll.u32 v42, $0x3;
	[tilespmem:$0x1FB90] =	vst v1;
	v1 =	vadd.s32 $0x2A, v50  }
0x168: {  	v5 =	vand.u32 $0xFFFFFC00, v5;
	v23 =	vor.u32 v56, v2;
	v7 =	vand.u32 $0xFFFFFC00, v7  }
0x169: {  	v6 =	vand.u32 $0xFFFFFC00, v6;
	v56 =	vor.u32 v61, v62;
	v61 =	vor.u32 v63, v35  }
0x16a: {  	v42 =	vand.u32 $0xFFFFFC00, v42;
	v63 =	vshll.u32 v22, $0x3;
	v30 =	vand.u32 $0x7A, v1  }
0x16b: {  	v1 =	vshll.u32 v1, $0x3;
	v2 =	vor.u32 v54, v5;
	v5 =	vand.u32 $0x7F, v41  }
0x16c: {  	v41 =	vshll.u32 v41, $0x3;
	v25 =	vor.u32 v57, v7;
	v54 =	vand.u32 $0x7B, v43  }
0x16d: {  	v7 =	vshll.u32 v46, $0x3;
	v43 =	vshll.u32 v43, $0x3;
	v57 =	vand.u32 $0x72, v45  }
0x16e: {  	v45 =	vshll.u32 v45, $0x3;
	v52 =	vor.u32 v53, v42;
	v42 =	vand.u32 $0x7F, v34  }
0x16f: {  	v53 =	vand.u32 $0x7F, v22;
	v34 =	vshll.u32 v34, $0x3;
	v1 =	vand.u32 $0xFFFFFC00, v1  }
0x170: {  	[tilespmem:$0x1FBD0] =	vst v2;
	v2 =	vand.u32 $0xFFFFFC00, v8;
	v8 =	vshll.u32 v37, $0x3;
	v37 =	vand.u32 $0x78, v46  }
0x171: {  	v41 =	vand.u32 $0xFFFFFC00, v41;
	v43 =	vand.u32 $0xFFFFFC00, v43;
	v45 =	vand.u32 $0xFFFFFC00, v45  }
0x172: {  	v30 =	vor.u32 v30, v1;
	v1 =	vand.u32 $0x7E, v21;
	v21 =	vand.u32 $0x7F, v38  }
0x173: {  	v2 =	vor.u32 v55, v2;
	v38 =	vshll.u32 v38, $0x3;
	v55 =	vand.u32 $0x7F, v47  }
0x174: {  	v47 =	vshll.u32 v47, $0x3;
	v8 =	vand.u32 $0xFFFFFC00, v8;
	v45 =	vor.u32 v57, v45  }
0x175: {  	[tilespmem:$0x1FBF0] =	vst v2;
	v2 =	vor.u32 v1, v6;
	v6 =	vand.u32 $0x7F, v44;
	v44 =	vshll.u32 v44, $0x3  }
0x176: {  	v4 =	vor.u32 v4, v8;
	v8 =	vand.u32 $0x75, v49;
	v1 =	vand.u32 $0xFFFFFC00, v7  }
0x177: {  	v38 =	vand.u32 $0xFFFFFC00, v38;
	v7 =	vshll.u32 v29, $0x3;
	v49 =	vshll.u32 v49, $0x3  }
0x178: {  	v22 =	vand.u32 $0xFFFFFC00, v47;
	v47 =	vand.u32 $0x7F, v17;
	v17 =	vshll.u32 v17, $0x3  }
0x179: {  	v29 =	vand.u32 $0xFFFFFC00, v63;
	v30 =	vadd.s32 v0, v30;
	v37 =	vor.u32 v37, v1  }
0x17a: {  	v60 =	vor.u32 v21, v38;
	v38 =	vand.u32 $0x7F, v51;
	v1 =	vor.u32 v5, v41  }
0x17b: {  	v5 =	vand.u32 $0x7F, v31;
	v41 =	vshll.u32 v39, $0x3;
	v21 =	vshll.u32 v51, $0x3  }
0x17c: {  	v51 =	vand.u32 $0x7E, v33;
	v39 =	vor.u32 v54, v43;
	v44 =	vand.u32 $0xFFFFFC00, v44  }
0x17d: {  	v31 =	vshll.u32 v31, $0x3;
	v33 =	vshll.u32 v33, $0x3;
	v62 =	vor.u32 v6, v44  }
0x17e: {  	[tilespmem:$0x1FBA0] =	vst v1;
	v1 =	vshll.u32 v12, $0x3;
	v6 =	vand.u32 $0xFFFFFC00, v7;
	v7 =	vor.u32 v55, v22  }
0x17f: {  	v41 =	vand.u32 $0xFFFFFC00, v41;
	v46 =	vand.u32 $0xFFFFFC00, v21;
	v21 =	vadd.s32 v0, v15  }
0x180: {  	[tilespmem:$0x1FBB0] =	vst v7;
	v55 =	vor.u32 v58, v6;
	v6 =	vand.u32 $0xFFFFFC00, v1;
	v1 =	vor.u32 v10, v41  }
0x181: {  	v43 =	vand.u32 $0xFFFFFC00, v49;
	v17 =	vand.u32 $0xFFFFFC00, v17;
	v7 =	vadd.s32 v0, v27;
	[tilespmem:$0x1FC30] =	vst v1  }
0x182: {  	v2 =	vadd.s32 v0, v2;
	v44 =	vand.u32 $0x7F, v12;
	v10 =	vadd.s32 v0, v24;
	_ =	swait.ge [sflag:s12], $0x6000  }
0x183: {  	v12 =	vand.u32 $0x7F, v18;
	v18 =	vshll.u32 v18, $0x3;
	v49 =	vor.u32 v8, v43;
	[sflag:s12] =	ssyncset.done $0x0  }
0x184: {  	v58 =	vadd.s32 v0, v26;
	v26 =	vor.u32 v47, v17;
	v17 =	vadd.s32 v0, v23;
	v1 =	vld [tilespmem:$0x1FFB0];
	[sflag:s12] =	ssyncadd.s32 $0xFFFFA000  }
0x185: {  	v8 =	vand.u32 $0x7F, v16;
	v16 =	vshll.u32 v16, $0x3;
	v31 =	vand.u32 $0xFFFFFC00, v31;
	v57 =	vld.idx.msk [tilespmem:v21+s11+$0x0], $0xffff  }
0x186: {  	v33 =	vand.u32 $0xFFFFFC00, v33;
	v43 =	vor.u32 v38, v46;
	v38 =	vor.u32 v44, v6;
	v6 =	vld.idx.msk [tilespmem:v7+s11+$0x0], $0xffff  }
0x187: {  	v18 =	vand.u32 $0xFFFFFC00, v18;
	v16 =	vand.u32 $0xFFFFFC00, v16;
	v63 =	vor.u32 v51, v33;
	v51 =	vld.idx.msk [tilespmem:v10+s11+$0x0], $0xffff  }
0x188: {  	v5 =	vor.u32 v5, v31;
	v31 =	vor.u32 v8, v16;
	v8 =	vadd.s32 v0, v9;
	v16 =	vld.idx.msk [tilespmem:v30+s11+$0x0], $0xffff  }
0x189: {  	v34 =	vand.u32 $0xFFFFFC00, v34;
	v9 =	vadd.s32 v0, v59;
	v7 =	vor.u32 v12, v18;
	v17 =	vld.idx.msk [tilespmem:v17+s11+$0x0], $0xffff  }
0x18a: {  	s16 =	simm.s32 $0x0;
	v54 =	vand.u32 $0x7E, v19;
	v19 =	vshll.u32 v19, $0x3;
	v18 =	vadd.s32 v0, v25;
	[tilespmem:$0x1FBC0] =	vst v7;
	v7 =	vld [tilespmem:$0x1FBD0]  }
0x18b: {  	v4 =	vadd.s32 v0, v4;
	v22 =	vor.u32 v36, v48;
	v15 =	vadd.s32 v1, v15;
	v1 =	vld [tilespmem:s16+$0x0]  }
0x18c: {  	v36 =	vand.u32 $0x7F, v20;
	v20 =	vshll.u32 v20, $0x3;
	v19 =	vand.u32 $0xFFFFFC00, v19;
	v59 =	vld.idx.msk [tilespmem:v2+s11+$0x0], $0xffff  }
0x18d: {  	v20 =	vand.u32 $0xFFFFFC00, v20;
	v24 =	vor.u32 v42, v34;
	v35 =	vor.u32 v54, v19;
	v54 =	vld.idx.msk [tilespmem:v8+s11+$0x0], $0xffff  }
0x18e: {  	v34 =	vor.u32 v53, v29;
	v41 =	vadd.s32 v0, v37;
	v53 =	vadd.s32 v0, v40;
	v40 =	vld.idx.msk [tilespmem:v9+s11+$0x0], $0xffff  }
0x18f: {  	v44 =	vor.u32 v36, v20;
	v25 =	vadd.s32 v0, v52;
	v18 =	vld.idx.msk [tilespmem:v18+s11+$0x0], $0xffff;
	v46 =	vadd.s32 v0, v7  }
0x190: {  	v7 =	vadd.s32 v0, v11;
	v11 =	vld.idx.msk [tilespmem:v32+s11+$0x0], $0xffff;
	v37 =	vbroadcast v1, $0xE;
	v12 =	vbroadcast v1, $0xF  }
0x191: {  	v10 =	vadd.s32 v0, v45;
	v32 =	vld.idx.msk [tilespmem:v28+s11+$0x0], $0xffff;
	v52 =	vbroadcast v1, $0xC;
	v28 =	vbroadcast v1, $0xD  }
0x192: {  	v2 =	vor.u32 $0x6, v21;
	[tilespmem:$0x1FBE0] =	vst v7;
	v7 =	vld [tilespmem:$0x1FBF0];
	v45 =	vbroadcast v1, $0x0;
	v48 =	vbroadcast v1, $0xA  }
0x193: {  	v20 =	vadd.s32 v0, v61;
	v19 =	vld.idx.msk [tilespmem:v15+s11+$0x0], $0xffff;
	v23 =	vbroadcast v1, $0xB;
	v47 =	vbroadcast v1, $0x8  }
0x194: {  	v15 =	vld.idx.msk [tilespmem:v58+s11+$0x0], $0xffff;
	v33 =	vbroadcast v1, $0x9;
	v8 =	vmul.f32 v45, v57  }
0x195: {  	v61 =	vadd.s32 v0, v39;
	v9 =	vmul.f32 v6, v45;
	v29 =	vmul.f32 v51, v45;
	v57 =	vld.idx.msk [tilespmem:v3+s11+$0x0], $0xffff  }
0x196: {  	v39 =	vmul.f32 v16, v37;
	v16 =	vadd.s32 v0, v38;
	v3 =	vld.idx.msk [tilespmem:v4+s11+$0x0], $0xffff;
	v38 =	vbroadcast v1, $0x7  }
0x197: {  	v6 =	vld.idx.msk [tilespmem:v2+s11+$0x0], $0xffff;
	v2 =	vadd.s32 v0, v49;
	v49 =	vbroadcast v1, $0x1;
	v45 =	vbroadcast v1, $0x3  }
0x198: {  	v58 =	vld.idx.msk [tilespmem:v20+s11+$0x0], $0xffff;
	v51 =	vmul.f32 v11, v37;
	v30 =	vadd.s32 v0, v7;
	v7 =	vadd.s32 v0, v56  }
0x199: {  	[tilespmem:$0x1FC00] =	vst v7;
	v7 =	vadd.s32 v0, v60;
	v60 =	vmul.f32 v18, v52;
	v18 =	vadd.s32 v0, v5  }
0x19a: {  	v27 =	vimm.f32 $0.0e+00;
	v4 =	vld.idx.msk [tilespmem:v53+s11+$0x0], $0xffff;
	v42 =	vmul.f32 v32, v37;
	v37 =	vmul.f32 v54, v52;
	[tilespmem:$0x1FC10] =	vst v7  }
0x19b: {  	v54 =	vbroadcast v1, $0x4;
	v56 =	vbroadcast v1, $0x6;
	v7 =	vadd.s32 v0, v55;
	[tilespmem:$0x1FC20] =	vst v3;
	v3 =	vld.idx.msk [tilespmem:v41+s11+$0x0], $0xffff  }
0x19c: {  	v36 =	vadd.s32 v0, v62;
	v55 =	vbroadcast v1, $0x2;
	v41 =	vbroadcast v1, $0x5;
	v1 =	vld [tilespmem:$0x1FC30]  }
0x19d: {  	v20 =	vor.u32 $0xC, v21;
	v62 =	vmul.f32 v17, v52;
	v11 =	vadd.s32 v0, v63;
	v17 =	vld.idx.msk [tilespmem:v16+s11+$0x0], $0xffff  }
0x19e: {  	v63 =	vadd.s32 v0, v24;
	v24 =	vimm.f32 $0.0e+00;
	v5 =	vadd.s32 v0, v22;
	v16 =	vld.idx.msk [tilespmem:v18+s11+$0x0], $0xffff  }
0x19f: {  	v53 =	vmul.f32 v19, v49;
	v32 =	vmul.f32 v15, v12;
	v15 =	vor.u32 $0xF, v21;
	v18 =	vld.idx.msk [tilespmem:v10+s11+$0x0], $0xffff  }
0x1a0: {  	v22 =	vimm.f32 $0.0e+00;
	v10 =	vor.u32 $0x9, v21;
	v21 =	vmul.f32 v6, v55;
	v19 =	vld.idx.msk [tilespmem:v7+s11+$0x0], $0xffff  }
0x1a1: {  	v6 =	vadd.s32 v0, v26;
	v26 =	vimm.f32 $0.0e+00;
	v7 =	vld.idx.msk [tilespmem:v25+s11+$0x0], $0xffff;
	v25 =	vimm.f32 $0.0e+00  }
0x1a2: {  	s16 =	simm.s32 $0x40;
	v20 =	vld.idx.msk [tilespmem:v20+s11+$0x0], $0xffff;
	v52 =	vadd.s32 v0, v1;
	v1 =	vadd.s32 v0, v35;
	v35 =	vmovc v12;
	v12 =	vimm.f32 $0.0e+00  }
.LBB2_4:
0x1a3: {  	v8 =	vadd.f32 v8, v12;
	v12 =	vld [tilespmem:$0x1FBC0]  }
0x1a4: {  	v9 =	vadd.f32 v9, v22;
	v17 =	vmul.f32 v17, v55;
	_ =	sdelay $0x1  }
0x1a5: {  	v16 =	vmul.f32 v16, v54;
	v9 =	vadd.f32 v17, v9;
	_ =	sdelay $0x1  }
0x1a6: {  	v9 =	vadd.f32 v16, v9;
	v16 =	vmul.f32 v19, v56;
	v19 =	vadd.s32 v0, v12;
	v12 =	vld [tilespmem:$0x1FC20];
	_ =	sdelay $0x1  }
0x1a7: {  	v20 =	vmul.f32 v20, v54;
	v8 =	vadd.f32 v21, v8;
	_ =	sdelay $0x1  }
0x1a8: {  	v61 =	vld.idx.msk [tilespmem:v61+s11+$0x0], $0xffff;
	v18 =	vmul.f32 v18, v56;
	v8 =	vadd.f32 v20, v8  }
0x1a9: {  	v21 =	vmul.f32 v59, v48;
	v59 =	vmul.f32 v12, v23;
	v12 =	vld [tilespmem:$0x1FBB0]  }
0x1aa: {  	v5 =	vld.idx.msk [tilespmem:v5+s11+$0x0], $0xffff;
	v3 =	vmul.f32 v3, v47;
	v8 =	vadd.f32 v18, v8  }
0x1ab: {  	v2 =	vld.idx.msk [tilespmem:v2+s11+$0x0], $0xffff  }
0x1ac: {  	v11 =	vld.idx.msk [tilespmem:v11+s11+$0x0], $0xffff;
	v4 =	vmul.f32 v4, v47;
	v9 =	vadd.f32 v16, v9;
	v3 =	vadd.f32 v3, v8  }
0x1ad: {  	v15 =	vld.idx.msk [tilespmem:v15+s11+$0x0], $0xffff;
	v20 =	vmul.f32 v58, v48  }
0x1ae: {  	v4 =	vadd.f32 v4, v9;
	v3 =	vadd.f32 v21, v3;
	v21 =	vadd.s32 v0, v12;
	v12 =	vld [tilespmem:$0x1FBA0]  }
0x1af: {  	v1 =	vld.idx.msk [tilespmem:v1+s11+$0x0], $0xffff;
	v44 =	vadd.s32 v0, v44  }
0x1b0: {  	v10 =	vld.idx.msk [tilespmem:v10+s11+$0x0], $0xffff;
	v17 =	vadd.s32 v0, v31;
	v4 =	vadd.f32 v20, v4;
	v3 =	vadd.f32 v62, v3  }
0x1b1: {  	v6 =	vld.idx.msk [tilespmem:v6+s11+$0x0], $0xffff  }
0x1b2: {  	v22 =	vld.idx.msk [tilespmem:v52+s11+$0x0], $0xffff;
	v4 =	vadd.f32 v60, v4;
	v3 =	vadd.f32 v39, v3  }
0x1b3: {  	v31 =	vadd.s32 v0, v12;
	v12 =	vld [tilespmem:$0x1FBE0]  }
0x1b4: {  	v16 =	vld.idx.msk [tilespmem:v44+s11+$0x0], $0xffff;
	v18 =	vadd.s32 v0, v34;
	[tilespmem:$0x1FB10] =	vst v3;
	v3 =	vadd.f32 v51, v4  }
0x1b5: {  	v1 =	vmul.f32 v1, v55;
	v10 =	vmul.f32 v10, v45;
	v17 =	vld.idx.msk [tilespmem:v17+s11+$0x0], $0xffff;
	v8 =	vadd.s32 v0, v43  }
0x1b6: {  	v19 =	vld.idx.msk [tilespmem:v19+s11+$0x0], $0xffff;
	v4 =	vadd.f32 v53, v27;
	[tilespmem:$0x1FAA0] =	vst v3;
	v3 =	vadd.f32 v29, v26  }
0x1b7: {  	v40 =	vmul.f32 v40, v28;
	v20 =	vld.idx.msk [tilespmem:v63+s11+$0x0], $0xffff  }
0x1b8: {  	v57 =	vmul.f32 v57, v48;
	v1 =	vadd.f32 v1, v3;
	v3 =	vadd.f32 v10, v4;
	v10 =	vld [tilespmem:$0x1FC10]  }
0x1b9: {  	v7 =	vmul.f32 v7, v47;
	v15 =	vmul.f32 v15, v41;
	v18 =	vld.idx.msk [tilespmem:v18+s11+$0x0], $0xffff  }
0x1ba: {  	v11 =	vmul.f32 v11, v54;
	v16 =	vmul.f32 v16, v49;
	v8 =	vld.idx.msk [tilespmem:v8+s11+$0x0], $0xffff  }
0x1bb: {  	v5 =	vmul.f32 v5, v56;
	v17 =	vmul.f32 v17, v49;
	v3 =	vadd.f32 v15, v3;
	v15 =	vld.idx.msk [tilespmem:v12+s11+$0x0], $0xffff  }
0x1bc: {  	v6 =	vmul.f32 v6, v45;
	v16 =	vadd.f32 v16, v24;
	v1 =	vadd.f32 v11, v1;
	v12 =	vld [tilespmem:$0x1FC00]  }
0x1bd: {  	v36 =	vld.idx.msk [tilespmem:v36+s11+$0x0], $0xffff;
	v2 =	vmul.f32 v2, v38;
	v17 =	vadd.f32 v17, v25;
	v19 =	vmul.f32 v19, v45  }
0x1be: {  	v9 =	vmul.f32 v61, v33;
	v6 =	vadd.f32 v6, v16;
	v21 =	vld.idx.msk [tilespmem:v21+s11+$0x0], $0xffff;
	v1 =	vadd.f32 v5, v1  }
0x1bf: {  	v16 =	vadd.f32 v19, v17;
	v17 =	vmul.f32 v18, v41;
	v4 =	vmul.f32 v20, v41  }
0x1c0: {  	v8 =	vmul.f32 v8, v38;
	v2 =	vadd.f32 v2, v3;
	v1 =	vadd.f32 v7, v1;
	v10 =	vld.idx.msk [tilespmem:v10+s11+$0x0], $0xffff  }
0x1c1: {  	v11 =	vmul.f32 v22, v38;
	v4 =	vadd.f32 v4, v6;
	v6 =	vadd.f32 v17, v16;
	v18 =	vld.idx.msk [tilespmem:v31+s11+$0x0], $0xffff  }
0x1c2: {  	v3 =	vmul.f32 v36, v33;
	v2 =	vadd.f32 v9, v2;
	v1 =	vadd.f32 v57, v1  }
0x1c3: {  	v5 =	vld.idx.msk [tilespmem:v46+s11+$0x0], $0xffff;
	v4 =	vadd.f32 v11, v4;
	v6 =	vadd.f32 v8, v6;
	v8 =	vmul.f32 v21, v33  }
0x1c4: {  	v13 =	vadd.s32 $0x30, v13;
	v2 =	vadd.f32 v59, v2;
	v1 =	vadd.f32 v37, v1;
	v16 =	vld.idx.msk [tilespmem:v12+s11+$0x0], $0xffff  }
0x1c5: {  	v58 =	vmovc v42;
	v3 =	vadd.f32 v3, v4;
	v4 =	vadd.f32 v8, v6;
	v7 =	vmul.f32 v10, v23  }
0x1c6: {  	v11 =	vld.idx.msk [tilespmem:v30+s11+$0x0], $0xffff;
	v6 =	vmul.f32 v18, v23;
	v2 =	vadd.f32 v40, v2;
	v1 =	vadd.f32 v58, v1  }
0x1c7: {  	v50 =	vadd.s32 $0x30, v50;
	v8 =	vmul.f32 v15, v28;
	v3 =	vadd.f32 v7, v3  }
0x1c8: {  	v5 =	vmul.f32 v5, v35;
	v4 =	vadd.f32 v6, v4;
	[tilespmem:$0x1FAD0] =	vst v1;
	v1 =	vadd.f32 v32, v2  }
0x1c9: {  	v12 =	vand.u32 $0x70, v50;
	v3 =	vadd.f32 v8, v3;
	v6 =	vmul.f32 v16, v28  }
0x1ca: {  	[tilespmem:$0x1F8E0] =	vst v12;
	v12 =	vand.u32 $0x7F, v13  }
0x1cb: {  	[tilespmem:$0x1FA80] =	vst v1;
	v1 =	vadd.f32 v5, v3;
	v4 =	vadd.f32 v6, v4;
	v6 =	vmul.f32 v11, v35  }
0x1cc: {  	v14 =	vadd.s32 $0x30, v14;
	[tilespmem:$0x1F8F0] =	vst v12  }
0x1cd: {  	v12 =	vand.u32 $0x7E, v14;
	[tilespmem:$0x1FAE0] =	vst v1;
	v1 =	vadd.f32 v6, v4  }
0x1ce: {  	v8 =	vadd.s32 $0x2D, v14;
	[tilespmem:$0x1F900] =	vst v12  }
0x1cf: {  	v5 =	vadd.s32 $0x2D, v13;
	v12 =	vshll.u32 v14, $0x3;
	[tilespmem:$0x1FA90] =	vst v1;
	v1 =	vadd.s32 $0x2A, v50  }
0x1d0: {  	[tilespmem:$0x1F8D0] =	vst v12;
	v12 =	vand.u32 $0x7A, v1;
	v59 =	vshll.u32 v1, $0x3;
	v1 =	vand.u32 $0x7F, v5  }
0x1d1: {  	v6 =	vadd.s32 $0x24, v50;
	[tilespmem:$0x1F960] =	vst v1;
	v1 =	vand.u32 $0x7F, v8  }
0x1d2: {  	v7 =	vadd.s32 $0x24, v13;
	[tilespmem:$0x1F970] =	vst v1;
	v1 =	vand.u32 $0x74, v6  }
0x1d3: {  	v9 =	vadd.s32 $0x24, v14;
	[tilespmem:$0x1F950] =	vst v1;
	v1 =	vand.u32 $0x7F, v7  }
0x1d4: {  	v10 =	vadd.s32 $0x27, v50;
	[tilespmem:$0x1F980] =	vst v1;
	v1 =	vand.u32 $0x7E, v9  }
0x1d5: {  	v11 =	vadd.s32 $0x27, v13;
	[tilespmem:$0x1F990] =	vst v1;
	v1 =	vand.u32 $0x77, v10  }
0x1d6: {  	v17 =	vadd.s32 $0x27, v14;
	[tilespmem:$0x1F9A0] =	vst v1;
	v1 =	vand.u32 $0x7F, v11  }
0x1d7: {  	v15 =	vadd.s32 $0x1E, v50;
	[tilespmem:$0x1F9C0] =	vst v1;
	v1 =	vand.u32 $0x7F, v17  }
0x1d8: {  	v16 =	vadd.s32 $0x1E, v13;
	[tilespmem:$0x1F9D0] =	vst v1;
	v1 =	vand.u32 $0x7E, v15  }
0x1d9: {  	v47 =	vshll.u32 v9, $0x3;
	v9 =	vshll.u32 v16, $0x3;
	[tilespmem:$0x1F9B0] =	vst v1;
	v1 =	vand.u32 $0x7F, v16;
	v16 =	vld [tilespmem:$0x1F8D0];
	_ =	sdelay $0x1  }
0x1da: {  	v42 =	vadd.s32 $0x18, v50;
	v49 =	vadd.s32 $0x1B, v50  }
0x1db: {  	v39 =	vshll.u32 v50, $0x3;
	v53 =	vadd.s32 $0x12, v50;
	v19 =	vadd.s32 $0x21, v50  }
0x1dc: {  	[tilespmem:$0x1FB00] =	vst v50;
	v57 =	vadd.s32 $0x15, v50;
	v4 =	vadd.s32 $0x2D, v50;
	v50 =	vshll.u32 v13, $0x3  }
0x1dd: {  	v46 =	vand.u32 $0xFFFFFC00, v39;
	v39 =	vand.u32 $0xFFFFFC00, v50;
	v50 =	vand.u32 $0xFFFFFC00, v16;
	v16 =	vld [tilespmem:$0x1F8E0];
	_ =	sdelay $0x4  }
0x1de: {  	v46 =	vor.u32 v16, v46;
	v16 =	vld [tilespmem:$0x1F8F0];
	_ =	sdelay $0x4  }
0x1df: {  	v39 =	vor.u32 v16, v39;
	v16 =	vld [tilespmem:$0x1F900];
	_ =	sdelay $0x1  }
0x1e0: {  	v18 =	vadd.s32 $0x1E, v14  }
0x1e1: {  	v34 =	vadd.s32 $0x3, v13;
	v56 =	vshll.u32 v10, $0x3;
	[tilespmem:$0x1F910] =	vst v12;
	v10 =	vshll.u32 v18, $0x3  }
0x1e2: {  	[tilespmem:$0x1F9E0] =	vst v1;
	v1 =	vand.u32 $0x7E, v18;
	v18 =	vand.u32 $0x7F, v34;
	v34 =	vshll.u32 v34, $0x3  }
0x1e3: {  	v50 =	vor.u32 v16, v50;
	v16 =	vand.u32 $0xFFFFFC00, v34;
	v34 =	vld [tilespmem:$0x1F910];
	_ =	sdelay $0x1  }
0x1e4: {  	v2 =	vadd.s32 $0x2A, v13  }
0x1e5: {  	v12 =	vand.u32 $0x7F, v2  }
0x1e6: {  	v59 =	vand.u32 $0xFFFFFC00, v59;
	[tilespmem:$0x1F920] =	vst v12  }
0x1e7: {  	v34 =	vor.u32 v34, v59;
	v59 =	vld [tilespmem:$0x1F920];
	_ =	sdelay $0x1  }
0x1e8: {  	v3 =	vadd.s32 $0x2A, v14  }
0x1e9: {  	v37 =	vshll.u32 v2, $0x3;
	v12 =	vand.u32 $0x7E, v3  }
0x1ea: {  	v37 =	vand.u32 $0xFFFFFC00, v37;
	[tilespmem:$0x1F930] =	vst v12  }
0x1eb: {  	v59 =	vor.u32 v59, v37;
	v37 =	vld [tilespmem:$0x1F930];
	_ =	sdelay $0x2  }
0x1ec: {  	v38 =	vshll.u32 v3, $0x3;
	v12 =	vand.u32 $0x7D, v4  }
0x1ed: {  	v38 =	vand.u32 $0xFFFFFC00, v38;
	[tilespmem:$0x1F940] =	vst v12  }
0x1ee: {  	v38 =	vor.u32 v37, v38;
	v37 =	vld [tilespmem:$0x1F940];
	_ =	sdelay $0x2  }
0x1ef: {  	v35 =	vshll.u32 v4, $0x3  }
0x1f0: {  	v35 =	vand.u32 $0xFFFFFC00, v35  }
0x1f1: {  	v35 =	vor.u32 v37, v35;
	v37 =	vld [tilespmem:$0x1F950];
	_ =	sdelay $0x2  }
0x1f2: {  	v45 =	vshll.u32 v6, $0x3  }
0x1f3: {  	v45 =	vand.u32 $0xFFFFFC00, v45  }
0x1f4: {  	v45 =	vor.u32 v37, v45;
	v37 =	vld [tilespmem:$0x1F960];
	_ =	sdelay $0x2  }
0x1f5: {  	v40 =	vshll.u32 v5, $0x3  }
0x1f6: {  	v40 =	vand.u32 $0xFFFFFC00, v40  }
0x1f7: {  	v40 =	vor.u32 v37, v40;
	v37 =	vld [tilespmem:$0x1F970];
	_ =	sdelay $0x2  }
0x1f8: {  	v41 =	vshll.u32 v8, $0x3  }
0x1f9: {  	v41 =	vand.u32 $0xFFFFFC00, v41  }
0x1fa: {  	v41 =	vor.u32 v37, v41;
	v37 =	vld [tilespmem:$0x1F980];
	_ =	sdelay $0x2  }
0x1fb: {  	v22 =	vshll.u32 v7, $0x3  }
0x1fc: {  	v22 =	vand.u32 $0xFFFFFC00, v22  }
0x1fd: {  	v22 =	vor.u32 v37, v22;
	v37 =	vld [tilespmem:$0x1F990];
	_ =	sdelay $0x3  }
0x1fe: {  	v47 =	vand.u32 $0xFFFFFC00, v47  }
0x1ff: {  	v47 =	vor.u32 v37, v47;
	v37 =	vld [tilespmem:$0x1F9A0];
	_ =	sdelay $0x3  }
0x200: {  	v56 =	vand.u32 $0xFFFFFC00, v56  }
0x201: {  	v56 =	vor.u32 v37, v56;
	v37 =	vld [tilespmem:$0x1F9B0]  }
0x202: {  	v52 =	vadd.s32 $0x1B, v14;
	v54 =	vadd.s32 $0x12, v13  }
0x203: {  	v55 =	vadd.s32 $0x12, v14;
	v48 =	vadd.s32 $0x18, v14;
	v44 =	vadd.s32 $0x18, v13  }
0x204: {  	v43 =	vadd.s32 $0x21, v14;
	v26 =	vshll.u32 v17, $0x3;
	v17 =	vshll.u32 v15, $0x3  }
0x205: {  	v61 =	vadd.s32 $0xC, v14;
	v60 =	vadd.s32 $0xC, v13;
	v17 =	vand.u32 $0xFFFFFC00, v17  }
0x206: {  	v63 =	vadd.s32 $0xF, v13;
	v24 =	vshll.u32 v60, $0x3;
	v17 =	vor.u32 v37, v17;
	v37 =	vld [tilespmem:$0x1F9C0]  }
0x207: {  	v62 =	vadd.s32 $0x15, v14;
	v25 =	vshll.u32 v63, $0x3;
	v24 =	vand.u32 $0xFFFFFC00, v24  }
0x208: {  	v51 =	vadd.s32 $0x1B, v13;
	v20 =	vadd.s32 $0x21, v13;
	v30 =	vadd.s32 $0x6, v13  }
0x209: {  	v26 =	vand.u32 $0xFFFFFC00, v26;
	v31 =	vadd.s32 $0x6, v14;
	v21 =	vshll.u32 v11, $0x3  }
0x20a: {  	v33 =	vadd.s32 $0x9, v14;
	v29 =	vshll.u32 v30, $0x3;
	v21 =	vand.u32 $0xFFFFFC00, v21  }
0x20b: {  	v58 =	vadd.s32 $0x15, v13;
	v28 =	vadd.s32 $0xF, v14;
	v21 =	vor.u32 v37, v21;
	v37 =	vld [tilespmem:$0x1F9D0]  }
0x20c: {  	v29 =	vand.u32 $0xFFFFFC00, v29;
	v27 =	vshll.u32 v58, $0x3;
	v23 =	vshll.u32 v28, $0x3  }
0x20d: {  	v32 =	vadd.s32 $0x9, v13;
	v23 =	vand.u32 $0xFFFFFC00, v23;
	v5 =	vshll.u32 v49, $0x3  }
0x20e: {  	v8 =	vshll.u32 v20, $0x3;
	v2 =	vshll.u32 v51, $0x3;
	v5 =	vand.u32 $0xFFFFFC00, v5  }
0x20f: {  	v3 =	vshll.u32 v44, $0x3;
	v6 =	vshll.u32 v52, $0x3;
	v8 =	vand.u32 $0xFFFFFC00, v8  }
0x210: {  	v2 =	vand.u32 $0xFFFFFC00, v2;
	v7 =	vshll.u32 v42, $0x3;
	v26 =	vor.u32 v37, v26;
	v37 =	vld [tilespmem:$0x1F9E0]  }
0x211: {  	v4 =	vshll.u32 v48, $0x3;
	v3 =	vand.u32 $0xFFFFFC00, v3;
	[tilespmem:$0x1F9F0] =	vst v1;
	v1 =	vand.u32 $0x71, v19  }
0x212: {  	v12 =	vshll.u32 v57, $0x3;
	v7 =	vand.u32 $0xFFFFFC00, v7;
	[tilespmem:$0x1FA00] =	vst v1;
	v1 =	vand.u32 $0x7F, v20  }
0x213: {  	v9 =	vand.u32 $0xFFFFFC00, v9;
	v12 =	vand.u32 $0xFFFFFC00, v12;
	[tilespmem:$0x1FA20] =	vst v1;
	v1 =	vand.u32 $0x7F, v43  }
0x214: {  	v11 =	vshll.u32 v19, $0x3;
	v10 =	vand.u32 $0xFFFFFC00, v10;
	[tilespmem:$0x1FA30] =	vst v1;
	v1 =	vand.u32 $0x78, v42  }
0x215: {  	v11 =	vand.u32 $0xFFFFFC00, v11;
	[tilespmem:$0x1FA10] =	vst v1;
	v1 =	vand.u32 $0x7E, v48;
	v9 =	vor.u32 v37, v9;
	v37 =	vld [tilespmem:$0x1F9F0]  }
0x216: {  	v15 =	vshll.u32 v43, $0x3;
	v20 =	vand.u32 $0x7F, v60;
	[tilespmem:$0x1FA40] =	vst v1;
	v1 =	vand.u32 $0x7B, v49  }
0x217: {  	v60 =	vand.u32 $0x7F, v30;
	v30 =	vand.u32 $0x7F, v33;
	v43 =	vand.u32 $0x7F, v44;
	[tilespmem:$0x1FA50] =	vst v1  }
0x218: {  	v33 =	vshll.u32 v33, $0x3;
	v44 =	vand.u32 $0x7F, v62;
	v3 =	vor.u32 v43, v3;
	v43 =	vld [tilespmem:$0x1FA50]  }
0x219: {  	v62 =	vshll.u32 v62, $0x3;
	v33 =	vand.u32 $0xFFFFFC00, v33;
	v20 =	vor.u32 v20, v24  }
0x21a: {  	v29 =	vor.u32 v60, v29;
	v42 =	vand.u32 $0x72, v53;
	v10 =	vor.u32 v37, v10;
	v37 =	vld [tilespmem:$0x1FA00]  }
0x21b: {  	v62 =	vand.u32 $0xFFFFFC00, v62;
	v48 =	vand.u32 $0x7F, v28;
	v1 =	vand.u32 $0x7F, v51  }
0x21c: {  	v28 =	vand.u32 $0x7F, v32;
	v32 =	vshll.u32 v32, $0x3;
	v24 =	vor.u32 v44, v62;
	[tilespmem:$0x1FA60] =	vst v1  }
0x21d: {  	v49 =	vand.u32 $0x75, v57;
	v57 =	vand.u32 $0x7E, v61;
	v5 =	vor.u32 v43, v5;
	v43 =	vld [tilespmem:$0x1FA60]  }
0x21e: {  	v32 =	vand.u32 $0xFFFFFC00, v32;
	v51 =	vand.u32 $0x7F, v54;
	v54 =	vshll.u32 v54, $0x3  }
0x21f: {  	v49 =	vor.u32 v49, v12;
	v28 =	vor.u32 v28, v32;
	v11 =	vor.u32 v37, v11;
	v37 =	vld [tilespmem:$0x1FA10]  }
0x220: {  	v1 =	vand.u32 $0x7F, v52;
	v52 =	vand.u32 $0x7E, v55;
	v55 =	vshll.u32 v55, $0x3  }
0x221: {  	[tilespmem:$0x1FAC0] =	vst v24;
	v54 =	vand.u32 $0xFFFFFC00, v54;
	v55 =	vand.u32 $0xFFFFFC00, v55;
	v24 =	vadd.s32 v0, v59  }
0x222: {  	s17 =	sshra.s32 s16, $0x2;
	v2 =	vor.u32 v43, v2;
	v43 =	vor.u32 v51, v54;
	v12 =	vadd.s32 v0, v34  }
0x223: {  	[tilespmem:$0x1FAF0] =	vst v28;
	v51 =	vor.u32 v52, v55;
	v52 =	vld [tilespmem:s17+$0x0];
	v16 =	vor.u32 v18, v16;
	v28 =	vadd.s32 v0, v45  }
0x224: {  	v61 =	vshll.u32 v61, $0x3;
	[tilespmem:$0x1FB20] =	vst v16;
	v16 =	vor.u32 v30, v33;
	v7 =	vor.u32 v37, v7;
	v37 =	vld [tilespmem:$0x1FA20]  }
0x225: {  	v23 =	vor.u32 v48, v23;
	v61 =	vand.u32 $0xFFFFFC00, v61;
	[tilespmem:$0x1FBC0] =	vst v16;
	v16 =	vadd.s32 v0, v22  }
0x226: {  	[tilespmem:$0x1FA70] =	vst v1;
	v1 =	vshll.u32 v53, $0x3;
	v53 =	vand.u32 $0x7F, v58;
	v58 =	vand.u32 $0x7F, v63;
	v22 =	vld.idx.msk [tilespmem:v24+s11+$0x0], $0xffff  }
0x227: {  	v63 =	vand.u32 $0x7E, v31;
	v31 =	vshll.u32 v31, $0x3;
	v18 =	vld.idx.msk [tilespmem:v12+s11+$0x0], $0xffff;
	v24 =	vadd.s32 v0, v56  }
0x228: {  	[tilespmem:$0x1FB30] =	vst v23;
	v31 =	vand.u32 $0xFFFFFC00, v31;
	v38 =	vadd.s32 v0, v38;
	v23 =	vadd.s32 v0, v35;
	v60 =	vld.idx.msk [tilespmem:v28+s11+$0x0], $0xffff  }
0x229: {  	v35 =	vbroadcast v52, $0xE;
	v17 =	vadd.s32 v0, v17;
	v8 =	vor.u32 v37, v8;
	v37 =	vld [tilespmem:$0x1FA30]  }
0x22a: {  	v62 =	vor.u32 v57, v61;
	v31 =	vor.u32 v63, v31;
	v61 =	vadd.s32 v0, v5;
	v30 =	vld.idx.msk [tilespmem:v16+s11+$0x0], $0xffff  }
0x22b: {  	v5 =	vadd.s32 v0, v51;
	v16 =	vadd.s32 v0, v29;
	v51 =	vmul.f32 v22, v35;
	v22 =	vld [tilespmem:$0x1FAA0]  }
0x22c: {  	v63 =	vadd.s32 v0, v20;
	[tilespmem:$0x1FAB0] =	vst v31;
	v31 =	vadd.s32 v0, v40;
	v40 =	vld.idx.msk [tilespmem:v24+s11+$0x0], $0xffff  }
0x22d: {  	v15 =	vand.u32 $0xFFFFFC00, v15;
	v12 =	vadd.s32 v0, v21;
	v21 =	vld.idx.msk [tilespmem:v38+s11+$0x0], $0xffff  }
0x22e: {  	v59 =	vld.idx.msk [tilespmem:v17+s11+$0x0], $0xffff;
	v15 =	vor.u32 v37, v15  }
0x22f: {  	[tilespmem:$0x1FBA0] =	vst v15;
	v15 =	vld [tilespmem:$0x1FA40]  }
0x230: {  	v25 =	vand.u32 $0xFFFFFC00, v25;
	v17 =	vld.idx.msk [tilespmem:v16+s11+$0x0], $0xffff;
	v9 =	vadd.s32 v0, v9  }
0x231: {  	v4 =	vand.u32 $0xFFFFFC00, v4;
	v25 =	vor.u32 v58, v25;
	v16 =	vld.idx.msk [tilespmem:v63+s11+$0x0], $0xffff;
	v10 =	vadd.s32 v0, v10  }
0x232: {  	v1 =	vand.u32 $0xFFFFFC00, v1;
	v63 =	vadd.s32 v0, v25;
	v25 =	vld [tilespmem:$0x1FA90];
	[tilespmem:$0x1FBE0] =	vst v12;
	v11 =	vadd.s32 v0, v11  }
0x233: {  	v12 =	vadd.s32 v0, v26;
	v26 =	vld.idx.msk [tilespmem:v23+s11+$0x0], $0xffff;
	v7 =	vadd.s32 v0, v7;
	v37 =	vadd.s32 v0, v46  }
0x234: {  	v4 =	vor.u32 v15, v4;
	v15 =	vadd.s32 v0, v39;
	v39 =	vadd.s32 v0, v50;
	v50 =	vld [tilespmem:$0x1FA70]  }
0x235: {  	v1 =	vor.u32 v42, v1;
	v58 =	vld.idx.msk [tilespmem:v9+s11+$0x0], $0xffff  }
0x236: {  	v42 =	vadd.s32 v0, v1;
	v57 =	vld.idx.msk [tilespmem:v10+s11+$0x0], $0xffff;
	v1 =	vor.u32 $0x6, v37  }
0x237: {  	v44 =	vadd.s32 v0, v2;
	v2 =	vld.idx.msk [tilespmem:v11+s11+$0x0], $0xffff;
	v8 =	vadd.s32 v0, v8;
	v10 =	vor.u32 $0xC, v37  }
0x238: {  	v27 =	vand.u32 $0xFFFFFC00, v27;
	v6 =	vand.u32 $0xFFFFFC00, v6;
	[tilespmem:$0x1FC10] =	vst v8;
	v8 =	vadd.s32 v0, v3;
	v3 =	vld.idx.msk [tilespmem:v7+s11+$0x0], $0xffff  }
0x239: {  	v53 =	vor.u32 v53, v27;
	v27 =	vld.idx.msk [tilespmem:v37+s11+$0x0], $0xffff;
	v6 =	vor.u32 v50, v6  }
0x23a: {  	v36 =	vadd.s32 $0x3, v14;
	[tilespmem:$0x1FBB0] =	vst v6;
	v6 =	vld [tilespmem:$0x1FFB0]  }
0x23b: {  	v19 =	vand.u32 $0x7F, v36;
	v36 =	vshll.u32 v36, $0x3;
	v24 =	vld.idx.msk [tilespmem:v1+s11+$0x0], $0xffff  }
0x23c: {  	v36 =	vand.u32 $0xFFFFFC00, v36;
	v20 =	vld.idx.msk [tilespmem:v10+s11+$0x0], $0xffff  }
0x23d: {  	v7 =	vbroadcast v52, $0x0;
	v1 =	vld [tilespmem:$0x1FAB0];
	v50 =	vor.u32 v19, v36;
	v19 =	vadd.s32 v0, v47  }
0x23e: {  	[tilespmem:$0x1FC00] =	vst v12;
	v12 =	vadd.s32 v0, v4;
	v4 =	vld.idx.msk [tilespmem:v8+s11+$0x0], $0xffff  }
0x23f: {  	v32 =	vbroadcast v52, $0xF;
	v8 =	vmul.f32 v7, v27;
	v27 =	vld [tilespmem:$0x1FA80];
	v6 =	vadd.s32 v6, v46  }
0x240: {  	v48 =	vbroadcast v52, $0xA;
	v33 =	vbroadcast v52, $0x9;
	v39 =	vld.idx.msk [tilespmem:v39+s11+$0x0], $0xffff  }
0x241: {  	v54 =	vbroadcast v52, $0x4;
	v55 =	vbroadcast v52, $0x2;
	v15 =	vld.idx.msk [tilespmem:v15+s11+$0x0], $0xffff  }
0x242: {  	v45 =	vbroadcast v52, $0x3;
	v28 =	vbroadcast v52, $0xD;
	v34 =	vld.idx.msk [tilespmem:v19+s11+$0x0], $0xffff  }
0x243: {  	v56 =	vbroadcast v52, $0x6;
	v38 =	vbroadcast v52, $0x7;
	v19 =	vadd.s32 v0, v43;
	v43 =	vld [tilespmem:$0x1FAC0]  }
0x244: {  	v23 =	vbroadcast v52, $0xB;
	[tilespmem:$0x1FC20] =	vst v2;
	v2 =	vadd.s32 v0, v49;
	v49 =	vbroadcast v52, $0x1;
	v6 =	vld.idx.msk [tilespmem:v6+s11+$0x0], $0xffff  }
0x245: {  	v29 =	vmul.f32 v39, v7;
	v39 =	vmul.f32 v18, v35;
	v18 =	vld.idx.msk [tilespmem:v42+s11+$0x0], $0xffff  }
0x246: {  	v42 =	vmul.f32 v21, v35;
	v35 =	vmov v32;
	v32 =	vmul.f32 v26, v32;
	v26 =	vld [tilespmem:$0x1FAD0]  }
0x247: {  	v36 =	vbroadcast v52, $0xC;
	v21 =	vmul.f32 v24, v55;
	v24 =	vld [tilespmem:$0x1FAE0]  }
0x248: {  	v47 =	vbroadcast v52, $0x8;
	v9 =	vmul.f32 v15, v7;
	v7 =	vld.idx.msk [tilespmem:v12+s11+$0x0], $0xffff;
	v46 =	vadd.s32 v0, v41  }
0x249: {  	p0 =	sne.s32 s16, $0x7C0;
	v41 =	vbroadcast v52, $0x5;
	v52 =	vadd.s32 v0, v53;
	v53 =	vmul.f32 v6, v49;
	v6 =	vld [tilespmem:$0x1FAF0]  }
.Ltmp1:
0x24a: {  	v11 =	vadd.s32 v0, v62;
	v12 =	vld [tilespmem:$0x1FB10];
	(pc) =	sbr.rel @p0 .LBB2_4-.Ltmp1, $4  }
0x24b: {  	v62 =	vmul.f32 v60, v36;
	v60 =	vmul.f32 v30, v36;
	v30 =	vmovc v46;
	v46 =	vmovc v31;
	v31 =	vmov v50;
	v50 =	vld [tilespmem:$0x1FB00]  }
0x24c: {  	v19 =	vld.idx.msk [tilespmem:v19+s11+$0x0], $0xffff  }
0x24d: {  	v10 =	vor.u32 $0x9, v37;
	v15 =	vor.u32 $0xF, v37;
	v37 =	vmul.f32 v34, v36;
	v36 =	vmovc v44;
	v44 =	vld [tilespmem:$0x1FB20]  }
0x24e: {  	s16 =	sadd.s32 $0x40, s16;
	v1 =	vadd.s32 v0, v1;
	v34 =	vld [tilespmem:$0x1FB30];
	v6 =	vadd.s32 v0, v6  }
0x24f: {  	_ =	sdelay $0x3  }
0x250: {  	v5 =	vld.idx.msk [tilespmem:v5+s11+$0x0], $0xffff  }
0x251: {  	v11 =	vld.idx.msk [tilespmem:v11+s11+$0x0], $0xffff  }
0x252: {  	v8 =	vadd.f32 v8, v12;
	v12 =	vld.idx.msk [tilespmem:v15+s11+$0x0], $0xffff  }
0x253: {  	v1 =	vld.idx.msk [tilespmem:v1+s11+$0x0], $0xffff  }
0x254: {  	v6 =	vld.idx.msk [tilespmem:v6+s11+$0x0], $0xffff  }
0x255: {  	v9 =	vadd.f32 v9, v22;
	v17 =	vmul.f32 v17, v55;
	v13 =	vmul.f32 v20, v54;
	v2 =	vld.idx.msk [tilespmem:v2+s11+$0x0], $0xffff  }
0x256: {  	v3 =	vmul.f32 v3, v47;
	v20 =	vmul.f32 v59, v48;
	v59 =	vadd.f32 v29, v26;
	v26 =	vld.idx.msk [tilespmem:v36+s11+$0x0], $0xffff  }
0x257: {  	v4 =	vmul.f32 v4, v47;
	v7 =	vmul.f32 v7, v47;
	v47 =	vld [tilespmem:$0x1FBE0];
	v8 =	vadd.f32 v21, v8  }
0x258: {  	v21 =	vld [tilespmem:$0x1FBC0]  }
0x259: {  	v22 =	vmul.f32 v16, v54;
	v9 =	vadd.f32 v17, v9;
	v8 =	vadd.f32 v13, v8;
	v13 =	vld.idx.msk [tilespmem:v61+s11+$0x0], $0xffff  }
0x25a: {  	v17 =	vmul.f32 v57, v48;
	v61 =	vadd.s32 v0, v31;
	v31 =	vld.idx.msk [tilespmem:v10+s11+$0x0], $0xffff  }
0x25b: {  	v57 =	vadd.s32 v0, v43;
	v9 =	vadd.f32 v22, v9;
	v22 =	vmul.f32 v58, v48;
	v58 =	vld.idx.msk [tilespmem:v63+s11+$0x0], $0xffff  }
0x25c: {  	v63 =	vld [tilespmem:$0x1FBA0]  }
0x25d: {  	v50 =	vmul.f32 v19, v56;
	v14 =	vadd.s32 v0, v44;
	v48 =	vld [tilespmem:$0x1FC20]  }
0x25e: {  	v1 =	vmul.f32 v1, v55;
	v55 =	vld [tilespmem:$0x1FB40]  }
0x25f: {  	v44 =	vmul.f32 v18, v56;
	v5 =	vmul.f32 v5, v56;
	v56 =	vld [tilespmem:$0x1FB70];
	v9 =	vadd.f32 v50, v9  }
0x260: {  	v16 =	vld.idx.msk [tilespmem:v57+s11+$0x0], $0xffff  }
0x261: {  	v57 =	vld [tilespmem:$0x1FB50];
	v4 =	vadd.f32 v4, v9  }
0x262: {  	v8 =	vadd.f32 v44, v8;
	v15 =	vadd.s32 v0, v21;
	v14 =	vld.idx.msk [tilespmem:v14+s11+$0x0], $0xffff  }
0x263: {  	v50 =	vld.idx.msk [tilespmem:v61+s11+$0x0], $0xffff;
	v4 =	vadd.f32 v22, v4  }
0x264: {  	v11 =	vmul.f32 v11, v54;
	v3 =	vadd.f32 v3, v8;
	v8 =	vmul.f32 v31, v45;
	v31 =	vld [tilespmem:$0x1FC10]  }
0x265: {  	v44 =	vadd.s32 v0, v34;
	v1 =	vadd.f32 v1, v59;
	v4 =	vadd.f32 v60, v4;
	v60 =	vld [tilespmem:$0x1FBB0]  }
0x266: {  	v61 =	vadd.f32 v53, v27;
	v27 =	vmul.f32 v58, v41;
	v58 =	vld [tilespmem:$0x1FB80];
	v3 =	vadd.f32 v20, v3  }
0x267: {  	v6 =	vmul.f32 v6, v45;
	v12 =	vmul.f32 v12, v41;
	v1 =	vadd.f32 v11, v1;
	v15 =	vld.idx.msk [tilespmem:v15+s11+$0x0], $0xffff  }
0x268: {  	v2 =	vmul.f32 v2, v38;
	v3 =	vadd.f32 v62, v3;
	v62 =	vld.idx.msk [tilespmem:v52+s11+$0x0], $0xffff;
	v14 =	vmul.f32 v14, v49  }
0x269: {  	v8 =	vadd.f32 v8, v61;
	v1 =	vadd.f32 v5, v1;
	v9 =	vmul.f32 v50, v49;
	v49 =	vld [tilespmem:$0x1FC00]  }
0x26a: {  	v43 =	vmul.f32 v13, v33;
	v10 =	vld.idx.msk [tilespmem:v44+s11+$0x0], $0xffff;
	v14 =	vadd.f32 v14, v24;
	v20 =	vadd.s32 v0, v60  }
0x26b: {  	v61 =	vld [tilespmem:$0x1FB90];
	v8 =	vadd.f32 v12, v8;
	v1 =	vadd.f32 v7, v1;
	v24 =	vadd.s32 v0, v63  }
0x26c: {  	v44 =	vmul.f32 v26, v33;
	v7 =	vld.idx.msk [tilespmem:v47+s11+$0x0], $0xffff;
	v3 =	vadd.f32 v39, v3;
	v6 =	vadd.f32 v6, v14  }
0x26d: {  	v4 =	vadd.f32 v51, v4;
	v39 =	vmul.f32 v16, v38;
	v9 =	vadd.f32 v9, v25;
	v11 =	vld.idx.msk [tilespmem:v31+s11+$0x0], $0xffff  }
0x26e: {  	v15 =	vmul.f32 v15, v45;
	v36 =	vmul.f32 v62, v38;
	v60 =	vld [tilespmem:$0x1FB60];
	v6 =	vadd.f32 v27, v6  }
0x26f: {  	v51 =	vmul.f32 v40, v28;
	v2 =	vadd.f32 v2, v8;
	v1 =	vadd.f32 v17, v1;
	v29 =	vld.idx.msk [tilespmem:v20+s11+$0x0], $0xffff  }
0x270: {  	v10 =	vmul.f32 v10, v41;
	v9 =	vadd.f32 v15, v9;
	v34 =	vld.idx.msk [tilespmem:v24+s11+$0x0], $0xffff;
	v41 =	vadd.f32 v36, v6  }
0x271: {  	v2 =	vadd.f32 v43, v2;
	v1 =	vadd.f32 v37, v1;
	v6 =	vmul.f32 v48, v23;
	v8 =	vld.idx.msk [tilespmem:v49+s11+$0x0], $0xffff  }
0x272: {  	v50 =	vld.idx.msk [tilespmem:v46+s11+$0x0], $0xffff;
	v9 =	vadd.f32 v10, v9;
	v11 =	vmul.f32 v11, v23;
	v5 =	vadd.f32 v44, v41  }
0x273: {  	v53 =	vmul.f32 v7, v28;
	v12 =	vadd.f32 v61, v60;
	v2 =	vadd.f32 v6, v2  }
0x274: {  	v52 =	vld.idx.msk [tilespmem:v30+s11+$0x0], $0xffff;
	v9 =	vadd.f32 v39, v9;
	v5 =	vadd.f32 v11, v5;
	v45 =	vmul.f32 v29, v33  }
0x275: {  	v10 =	vmul.f32 v34, v23;
	v2 =	vadd.f32 v51, v2;
	v11 =	vadd.f32 v58, v57  }
0x276: {  	v54 =	vmul.f32 v8, v28;
	v8 =	vadd.f32 v56, v55;
	v9 =	vadd.f32 v45, v9  }
0x277: {  	v59 =	vmul.f32 v50, v35;
	v5 =	vadd.f32 v53, v5;
	v2 =	vadd.f32 v32, v2  }
0x278: {  	v11 =	vmul.f32 v11, v11;
	v8 =	vmul.f32 v8, v8;
	v9 =	vadd.f32 v10, v9  }
0x279: {  	v62 =	vmul.f32 v52, v35;
	v5 =	vadd.f32 v59, v5;
	v2 =	vadd.f32 v2, v3  }
0x27a: {  	v3 =	vmul.f32 v12, v12;
	v63 =	vadd.f32 v11, v8;
	v7 =	vadd.f32 v54, v9  }
0x27b: {  	v1 =	vadd.f32 v42, v1;
	v4 =	vadd.f32 v5, v4  }
0x27c: {  	v2 =	vmul.f32 v2, v2;
	v3 =	vadd.f32 v3, v63;
	v7 =	vadd.f32 v62, v7;
	_ =	sdelay $0x1  }
0x27d: {  	v2 =	vadd.f32 v2, v3;
	v3 =	vmul.f32 v4, v4;
	v1 =	vadd.f32 v7, v1;
	_ =	sdelay $0x1  }
0x27e: {  	v2 =	vadd.f32 v3, v2;
	v1 =	vmul.f32 v1, v1;
	_ =	sdelay $0x1  }
0x27f: {  	v1 =	vadd.f32 v1, v2;
	v2 =	vld [tilespmem:$0x1FFC0];
	_ =	sdelay $0x6  }
0x280: {  	[tilespmem:$0xC280] =	vst v1  }
0x281: {  	v2 =	vld.idx.msk [tilespmem:v2+s13+$0x0], $0xffff;
	_ =	sdelay $0x4  }
0x282: {  	v1 =	vadd.f32 v2, v1;
	v2 =	vld [tilespmem:$0x1FFD0];
	_ =	sdelay $0x6  }
0x283: {  	[tilespmem:$0xC280] =	vst v1  }
0x284: {  	v2 =	vld.idx.msk [tilespmem:v2+s13+$0x0], $0xffff;
	_ =	sdelay $0x4  }
0x285: {  	v1 =	vadd.f32 v2, v1;
	v2 =	vld [tilespmem:$0x1FFE0];
	_ =	sdelay $0x6  }
0x286: {  	[tilespmem:$0xC280] =	vst v1  }
0x287: {  	v2 =	vld.idx.msk [tilespmem:v2+s13+$0x0], $0xffff;
	_ =	sdelay $0x4  }
0x288: {  	v1 =	vadd.f32 v2, v1;
	v2 =	vld [tilespmem:$0x1FFF0];
	_ =	sdelay $0x6  }
0x289: {  	[tilespmem:$0xC280] =	vst v1  }
0x28a: {  	v2 =	vld.idx.msk [tilespmem:v2+s13+$0x0], $0xffff;
	_ =	sdelay $0x4  }
0x28b: {  	s15 =	sadd.s32 $0x1, s15;
	v1 =	vadd.f32 v2, v1  }
0x28c: {  	p0 =	sne.s32 s15, s8  }
.Ltmp2:
0x28d: {  	[tilespmem:$0xC200] =	vst v1;
	(pc) =	sbr.rel @p0 .LBB2_1-.Ltmp2, $4  }
0x28e: {  	[hbm4b:s7+s2] =	stream.linear.scatter [tilespmem:s14], [sflag:$0x3], $0x80, $0x38;
	[tilespmem:$0xC300] =	vst v63  }
0x28f: {  	_ =	swait.ge [sflag:s9], $0x80  }
0x290: {  	[sflag:s9] =	ssyncset.done $0x0  }
0x291: {  	[sflag:s9] =	ssyncadd.s32 $0xFFFFFF80  }
0x292: {  	_ =	sfence.sel $0x180000  }
0x293: {  	[bflag:$0x0] =	sbarrier.arrive $0xFFFF  }
0x294: {  	p0 =	sne.s32 s0, $0x0;
	_ =	strace $0x90000047  }
0x295: {  	s0 =	sadd.s32 @!p0 $0x100000, s1;
	[bflag:$0x2] =	sbarrier.arrive $0xFFFF  }
0x296: {  	[sflag:s0] =	ssyncadd.tile.s32 @!p0 $0x1;
	_ =	shalt  }
.Lfunc_end2:
_tile_overlayer_lowered:
.L_overlay_start_2:
0x297: {  	(tag) =	ssettag $0x2  }
0x298: {  	s0 =	rddreg [dreg:$0x0];
	s2 =	stileid.u32  }
0x299: {  	s1 =	rddreg [dreg:$0x1];
	p0 =	sne.s32 s2, $0x0  }
0x29a: {  	s3 =	rddreg [dreg:$0x2];
	[bflag:$0x3] =	sbarrier.arrive $0xFFFF;
	s2 =	simm.s32 @!p0 $0x1C03  }
0x29b: {  	[timem:s3], [sflag:s2] =	dma.local @!p0 [hbm:s0], s1  }
0x29c: {  	s0 =	simm.s32 @!p0 $0x3  }
0x29d: {  	_ =	swait.ge @!p0 [sflag:s0], s1  }
0x29e: {  	s1 =	ssub.s32 @!p0 $0x0, s1;
	[sflag:s0] =	ssyncset.done @!p0 $0x0  }
0x29f: {  	[sflag:s0] =	ssyncadd.s32 @!p0 s1  }
0x2a0: {  	[bflag:$0x3] =	sbarrier.arrive $0xFFFF  }
0x2a1: {  	_ =	shalt  }

</sc_bundles>
